<compile_context>
chip_gen: v7x
topology: tpu7x:2x2x1
jax: 0.10.2.dev20260603
libtpu: 0.0.44.dev20260713+nightly
codegen_flags: <defaults>
</compile_context>

<pallas_src>
import functools

import jax
import jax.numpy as jnp
from jax import lax
from jax.experimental import pallas as pl
from jax.experimental.pallas import tpu as pltpu
from jax.experimental.pallas import tpu_sc as plsc

DEPTH = 64
WIDE = 2 * DEPTH
NC, NS = 2, 16
NW = NC * NS
IDX_LANE = 128
K = 2
CHUNK = K * IDX_LANE
NBUF = 3


@functools.lru_cache(maxsize=None)
def _build(n_rows):
    assert n_rows % (NW * CHUNK) == 0
    n_chunks = n_rows // (NW * CHUNK)
    assert (n_chunks - 4) % NBUF == 0 and n_chunks >= 8
    idx_rows = n_chunks * K
    mesh = plsc.VectorSubcoreMesh(core_axis_name="c", subcore_axis_name="s")

    @functools.partial(
        pl.kernel,
        mesh=mesh,
        out_type=jax.ShapeDtypeStruct((n_rows, WIDE), jnp.float32),
        scratch_types=[
            pltpu.VMEM((idx_rows, IDX_LANE), jnp.int32),
            pltpu.VMEM((NBUF, CHUNK, WIDE), jnp.float32),
            [pltpu.SemaphoreType.DMA] * NBUF,
            [pltpu.SemaphoreType.DMA] * NBUF,
        ],
        compiler_params=pltpu.CompilerParams(use_tc_tiling_on_sc=True),
    )
    def body(table_hbm, idx_hbm, out_hbm, idx_v, rows_v, sem_g, sem_o):
        wid = lax.axis_index("s") * NC + lax.axis_index("c")
        chunk0 = wid * n_chunks

        pltpu.sync_copy(idx_hbm.at[pl.ds(chunk0 * K, idx_rows)], idx_v)

        def gather(i, b):
            return [
                pltpu.make_async_copy(
                    table_hbm.at[idx_v.at[i * K + j]],
                    rows_v.at[b, pl.ds(j * IDX_LANE, IDX_LANE)],
                    sem_g[b],
                )
                for j in range(K)
            ]

        def fire_g(i, b):
            for cp in gather(i, b):
                cp.start()

        def wait_g(i, b):
            for cp in gather(i, b):
                cp.wait()

        def store(i, b):
            return pltpu.make_async_copy(
                rows_v.at[b],
                out_hbm.at[pl.ds((chunk0 + i) * CHUNK, CHUNK)],
                sem_o[b],
            )

        fire_g(0, 0)
        fire_g(1, 1)
        wait_g(0, 0)
        store(0, 0).start()
        fire_g(2, 2)
        wait_g(1, 1)
        store(1, 1).start()
        store(0, 0).wait()
        fire_g(3, 0)

        def outer(g, carry):
            for k in range(NBUF):
                i = 2 + g * NBUF + k
                b = (2 + k) % NBUF
                wait_g(i, b)
                store(i, b).start()
                store(i - 1, (b + NBUF - 1) % NBUF).wait()
                fire_g(i + 2, (b + 2) % NBUF)
            return carry

        lax.fori_loop(0, (n_chunks - 4) // NBUF, outer, 0)

        i1, i2 = n_chunks - 2, n_chunks - 1
        b1, b2 = i1 % NBUF, i2 % NBUF
        wait_g(i1, b1)
        store(i1, b1).start()
        store(i1 - 1, (b1 + NBUF - 1) % NBUF).wait()
        wait_g(i2, b2)
        store(i2, b2).start()
        store(i1, b1).wait()
        store(i2, b2).wait()

    return body


def kernel(texts_tokenized, embedding_table):
    b, s = texts_tokenized.shape
    n_rows = b * s
    idx = texts_tokenized.reshape(n_rows // IDX_LANE, IDX_LANE).astype(jnp.int32)
    table_p = jnp.pad(embedding_table, ((0, 0), (0, WIDE - DEPTH)))
    out = _build(n_rows)(table_p, idx)
    return out[:, :DEPTH].reshape(b, s, DEPTH)

# --- scband reference (transcript-rebuilt; emitter-appended) ---
"""Pipeline reference for scband-text-embedder-29128468201563 (READ-ONLY COPY).

The authoritative reference and input builder live on the scoring server;
editing this copy changes nothing except your own understanding.
"""

import jax, jax.numpy as jnp
import numpy as np

VOCAB = 1000000
DEPTH = 64

def setup_inputs(seed: int = 0) -> dict:
    key = jax.random.key(seed)
    k_idx, k_emb = jax.random.split(key)
    texts_tokenized = jax.random.randint(k_idx, (4096, 200), 0, VOCAB, dtype=jnp.int64 if jax.config.read('jax_enable_x64') else jnp.int32)
    embedding_table = jax.random.normal(k_emb, (VOCAB, DEPTH), dtype=jnp.float32) * 0.05
    return {"texts_tokenized": texts_tokenized, "embedding_table": embedding_table}

def reference(texts_tokenized, embedding_table):
    # Faithful translation of tf.keras.layers.Embedding lookup
    embedding = jnp.take(embedding_table, texts_tokenized, axis=0)
    return embedding

if __name__ == "__main__":
    import jax
    _d = setup_inputs()
    print(jax.jit(kernel)(*tuple(_d.values())))

</pallas_src>

<mosaic_0001>
#map = affine_map<(d0, d1) -> (0, 0)>
module attributes {stable_mosaic.version = 14 : i64} {
  func.func @body(%arg0: i32, %arg1: i32, %arg2: memref<1000000x128xf32, #tpu.memory_space<hbm>>, %arg3: memref<6400x128xi32, #tpu.memory_space<hbm>>, %arg4: memref<819200x128xf32, #tpu.memory_space<hbm>>, %arg5: memref<200x128xi32, #tpu.memory_space<vmem>>, %arg6: memref<3x256x128xf32, #tpu.memory_space<vmem>>, %arg7: memref<!tpu.dma_semaphore, #tpu.memory_space<semaphore_mem>>, %arg8: memref<!tpu.dma_semaphore, #tpu.memory_space<semaphore_mem>>, %arg9: memref<!tpu.dma_semaphore, #tpu.memory_space<semaphore_mem>>, %arg10: memref<!tpu.dma_semaphore, #tpu.memory_space<semaphore_mem>>, %arg11: memref<!tpu.dma_semaphore, #tpu.memory_space<semaphore_mem>>, %arg12: memref<!tpu.dma_semaphore, #tpu.memory_space<semaphore_mem>>) attributes {dimension_semantics = [#tpu.dimension_semantics<core_parallel>, #tpu.dimension_semantics<subcore_parallel>], iteration_bounds = array<i64: 2, 16>, scalar_prefetch = 0 : i64, scratch_operands = 8 : i64, tpu.core_type = #tpu.core_type<sc_vector_subcore>, window_params = [{transform_indices = #map}, {transform_indices = #map}, {transform_indices = #map}]} {
    %mul3A = arith.constant 2 : i32
    %mul3A_0 = arith.muli %arg1, %mul3A : i32
    %add3A = arith.addi %mul3A_0, %arg0 : i32
    %mul3A_1 = arith.constant 100 : i32
    %mul3A_2 = arith.muli %add3A, %mul3A_1 : i32
    %mul3A_3 = arith.constant 2 : i32
    %mul3A_4 = arith.muli %mul3A_2, %mul3A_3 : i32
    "tpu.region"() ({
      %run_scoped3A = tpu.sem_alloc : memref<!tpu.dma_semaphore, #tpu.memory_space<semaphore_mem>>
      %dma_start3A_336 = arith.constant 0 : i32
      %dma_start3A_337 = tpu.memref_slice %arg3[%mul3A_4, %dma_start3A_336] : memref<6400x128xi32, #tpu.memory_space<hbm>> -> memref<200x128xi32, #tpu.memory_space<hbm>>
      %dma_start3A_338 = arith.constant 0 : i32
      %dma_start3A_339 = tpu.memref_slice %arg3[%mul3A_4, %dma_start3A_338] : memref<6400x128xi32, #tpu.memory_space<hbm>> -> memref<200x128xi32, #tpu.memory_space<hbm>>
      tpu.enqueue_dma source(%dma_start3A_339 : memref<200x128xi32, #tpu.memory_space<hbm>>) target(%arg5 : memref<200x128xi32, #tpu.memory_space<vmem>>) target_semaphore(%run_scoped3A : memref<!tpu.dma_semaphore, #tpu.memory_space<semaphore_mem>>)
      %dma_wait3A_340 = arith.constant 0 : i32
      %dma_wait3A_341 = tpu.memref_slice %arg3[%mul3A_4, %dma_wait3A_340] : memref<6400x128xi32, #tpu.memory_space<hbm>> -> memref<200x128xi32, #tpu.memory_space<hbm>>
      %dma_wait3A_342 = arith.constant 0 : i32
      %dma_wait3A_343 = tpu.memref_slice %arg3[%mul3A_4, %dma_wait3A_342] : memref<6400x128xi32, #tpu.memory_space<hbm>> -> memref<200x128xi32, #tpu.memory_space<hbm>>
      tpu.wait_dma2 semaphore(%run_scoped3A : memref<!tpu.dma_semaphore, #tpu.memory_space<semaphore_mem>>) src(%dma_wait3A_343 : memref<200x128xi32, #tpu.memory_space<hbm>>) dst(%arg5 : memref<200x128xi32, #tpu.memory_space<vmem>>)
      tpu.yield
    }) : () -> ()
    %dma_start3A = arith.constant 0 : i32
    %dma_start3A_5 = arith.constant 0 : i32
    %dma_start3A_6 = arith.constant 0 : i32
    %dma_start3A_7 = arith.constant 0 : i32
    %dma_start3A_8 = tpu.memref_slice %arg6[%dma_start3A_5, %dma_start3A_6, %dma_start3A_7] : memref<3x256x128xf32, #tpu.memory_space<vmem>> -> memref<1x128x128xf32, #tpu.memory_space<vmem>>
    %dma_start3A_9 = tpu.memref_squeeze %dma_start3A_8 : memref<1x128x128xf32, #tpu.memory_space<vmem>> -> memref<128x128xf32, #tpu.memory_space<vmem>>
    %dma_start3A_10 = arith.constant 0 : i32
    %dma_start3A_11 = tpu.memref_slice %arg5[%dma_start3A, %dma_start3A_10] : memref<200x128xi32, #tpu.memory_space<vmem>> -> memref<1x128xi32, #tpu.memory_space<vmem>>
    %dma_start3A_12 = tpu.memref_squeeze %dma_start3A_11 : memref<1x128xi32, #tpu.memory_space<vmem>> -> memref<128xi32, #tpu.memory_space<vmem>>
    %dma_start3A_13 = arith.constant 0 : i32
    %dma_start3A_14 = arith.constant 0 : i32
    %dma_start3A_15 = tpu.memref_slice %arg2[%dma_start3A_13, %dma_start3A_14] : memref<1000000x128xf32, #tpu.memory_space<hbm>> -> memref<1000000x128xf32, #tpu.memory_space<hbm>>
    tpu.enqueue_indirect_dma source(%dma_start3A_15 : memref<1000000x128xf32, #tpu.memory_space<hbm>>) target(%dma_start3A_9 : memref<128x128xf32, #tpu.memory_space<vmem>>) offsets(%dma_start3A_12 : memref<128xi32, #tpu.memory_space<vmem>>) semaphore(%arg7 : memref<!tpu.dma_semaphore, #tpu.memory_space<semaphore_mem>>)
    %dma_start3A_16 = arith.constant 1 : i32
    %dma_start3A_17 = arith.constant 0 : i32
    %dma_start3A_18 = arith.constant 128 : i32
    %dma_start3A_19 = arith.constant 0 : i32
    %dma_start3A_20 = tpu.memref_slice %arg6[%dma_start3A_17, %dma_start3A_18, %dma_start3A_19] : memref<3x256x128xf32, #tpu.memory_space<vmem>> -> memref<1x128x128xf32, #tpu.memory_space<vmem>>
    %dma_start3A_21 = tpu.memref_squeeze %dma_start3A_20 : memref<1x128x128xf32, #tpu.memory_space<vmem>> -> memref<128x128xf32, #tpu.memory_space<vmem>>
    %dma_start3A_22 = arith.constant 0 : i32
    %dma_start3A_23 = tpu.memref_slice %arg5[%dma_start3A_16, %dma_start3A_22] : memref<200x128xi32, #tpu.memory_space<vmem>> -> memref<1x128xi32, #tpu.memory_space<vmem>>
    %dma_start3A_24 = tpu.memref_squeeze %dma_start3A_23 : memref<1x128xi32, #tpu.memory_space<vmem>> -> memref<128xi32, #tpu.memory_space<vmem>>
    %dma_start3A_25 = arith.constant 0 : i32
    %dma_start3A_26 = arith.constant 0 : i32
    %dma_start3A_27 = tpu.memref_slice %arg2[%dma_start3A_25, %dma_start3A_26] : memref<1000000x128xf32, #tpu.memory_space<hbm>> -> memref<1000000x128xf32, #tpu.memory_space<hbm>>
    tpu.enqueue_indirect_dma source(%dma_start3A_27 : memref<1000000x128xf32, #tpu.memory_space<hbm>>) target(%dma_start3A_21 : memref<128x128xf32, #tpu.memory_space<vmem>>) offsets(%dma_start3A_24 : memref<128xi32, #tpu.memory_space<vmem>>) semaphore(%arg7 : memref<!tpu.dma_semaphore, #tpu.memory_space<semaphore_mem>>)
    %dma_start3A_28 = arith.constant 2 : i32
    %dma_start3A_29 = arith.constant 1 : i32
    %dma_start3A_30 = arith.constant 0 : i32
    %dma_start3A_31 = arith.constant 0 : i32
    %dma_start3A_32 = tpu.memref_slice %arg6[%dma_start3A_29, %dma_start3A_30, %dma_start3A_31] : memref<3x256x128xf32, #tpu.memory_space<vmem>> -> memref<1x128x128xf32, #tpu.memory_space<vmem>>
    %dma_start3A_33 = tpu.memref_squeeze %dma_start3A_32 : memref<1x128x128xf32, #tpu.memory_space<vmem>> -> memref<128x128xf32, #tpu.memory_space<vmem>>
    %dma_start3A_34 = arith.constant 0 : i32
    %dma_start3A_35 = tpu.memref_slice %arg5[%dma_start3A_28, %dma_start3A_34] : memref<200x128xi32, #tpu.memory_space<vmem>> -> memref<1x128xi32, #tpu.memory_space<vmem>>
    %dma_start3A_36 = tpu.memref_squeeze %dma_start3A_35 : memref<1x128xi32, #tpu.memory_space<vmem>> -> memref<128xi32, #tpu.memory_space<vmem>>
    %dma_start3A_37 = arith.constant 0 : i32
    %dma_start3A_38 = arith.constant 0 : i32
    %dma_start3A_39 = tpu.memref_slice %arg2[%dma_start3A_37, %dma_start3A_38] : memref<1000000x128xf32, #tpu.memory_space<hbm>> -> memref<1000000x128xf32, #tpu.memory_space<hbm>>
    tpu.enqueue_indirect_dma source(%dma_start3A_39 : memref<1000000x128xf32, #tpu.memory_space<hbm>>) target(%dma_start3A_33 : memref<128x128xf32, #tpu.memory_space<vmem>>) offsets(%dma_start3A_36 : memref<128xi32, #tpu.memory_space<vmem>>) semaphore(%arg8 : memref<!tpu.dma_semaphore, #tpu.memory_space<semaphore_mem>>)
    %dma_start3A_40 = arith.constant 3 : i32
    %dma_start3A_41 = arith.constant 1 : i32
    %dma_start3A_42 = arith.constant 128 : i32
    %dma_start3A_43 = arith.constant 0 : i32
    %dma_start3A_44 = tpu.memref_slice %arg6[%dma_start3A_41, %dma_start3A_42, %dma_start3A_43] : memref<3x256x128xf32, #tpu.memory_space<vmem>> -> memref<1x128x128xf32, #tpu.memory_space<vmem>>
    %dma_start3A_45 = tpu.memref_squeeze %dma_start3A_44 : memref<1x128x128xf32, #tpu.memory_space<vmem>> -> memref<128x128xf32, #tpu.memory_space<vmem>>
    %dma_start3A_46 = arith.constant 0 : i32
    %dma_start3A_47 = tpu.memref_slice %arg5[%dma_start3A_40, %dma_start3A_46] : memref<200x128xi32, #tpu.memory_space<vmem>> -> memref<1x128xi32, #tpu.memory_space<vmem>>
    %dma_start3A_48 = tpu.memref_squeeze %dma_start3A_47 : memref<1x128xi32, #tpu.memory_space<vmem>> -> memref<128xi32, #tpu.memory_space<vmem>>
    %dma_start3A_49 = arith.constant 0 : i32
    %dma_start3A_50 = arith.constant 0 : i32
    %dma_start3A_51 = tpu.memref_slice %arg2[%dma_start3A_49, %dma_start3A_50] : memref<1000000x128xf32, #tpu.memory_space<hbm>> -> memref<1000000x128xf32, #tpu.memory_space<hbm>>
    tpu.enqueue_indirect_dma source(%dma_start3A_51 : memref<1000000x128xf32, #tpu.memory_space<hbm>>) target(%dma_start3A_45 : memref<128x128xf32, #tpu.memory_space<vmem>>) offsets(%dma_start3A_48 : memref<128xi32, #tpu.memory_space<vmem>>) semaphore(%arg8 : memref<!tpu.dma_semaphore, #tpu.memory_space<semaphore_mem>>)
    %dma_wait3A = arith.constant 0 : i32
    %dma_wait3A_52 = arith.constant 0 : i32
    %dma_wait3A_53 = arith.constant 0 : i32
    %dma_wait3A_54 = arith.constant 0 : i32
    %dma_wait3A_55 = tpu.memref_slice %arg6[%dma_wait3A_52, %dma_wait3A_53, %dma_wait3A_54] : memref<3x256x128xf32, #tpu.memory_space<vmem>> -> memref<1x128x128xf32, #tpu.memory_space<vmem>>
    %dma_wait3A_56 = tpu.memref_squeeze %dma_wait3A_55 : memref<1x128x128xf32, #tpu.memory_space<vmem>> -> memref<128x128xf32, #tpu.memory_space<vmem>>
    %dma_wait3A_57 = arith.constant 0 : i32
    %dma_wait3A_58 = tpu.memref_slice %arg5[%dma_wait3A, %dma_wait3A_57] : memref<200x128xi32, #tpu.memory_space<vmem>> -> memref<1x128xi32, #tpu.memory_space<vmem>>
    %dma_wait3A_59 = tpu.memref_squeeze %dma_wait3A_58 : memref<1x128xi32, #tpu.memory_space<vmem>> -> memref<128xi32, #tpu.memory_space<vmem>>
    %dma_wait3A_60 = arith.constant 0 : i32
    %dma_wait3A_61 = arith.constant 0 : i32
    %dma_wait3A_62 = tpu.memref_slice %arg2[%dma_wait3A_60, %dma_wait3A_61] : memref<1000000x128xf32, #tpu.memory_space<hbm>> -> memref<1000000x128xf32, #tpu.memory_space<hbm>>
    tpu.wait_indirect_dma semaphore(%arg7 : memref<!tpu.dma_semaphore, #tpu.memory_space<semaphore_mem>>) src(%dma_wait3A_62 : memref<1000000x128xf32, #tpu.memory_space<hbm>>) dst(%dma_wait3A_56 : memref<128x128xf32, #tpu.memory_space<vmem>>)
    %dma_wait3A_63 = arith.constant 1 : i32
    %dma_wait3A_64 = arith.constant 0 : i32
    %dma_wait3A_65 = arith.constant 128 : i32
    %dma_wait3A_66 = arith.constant 0 : i32
    %dma_wait3A_67 = tpu.memref_slice %arg6[%dma_wait3A_64, %dma_wait3A_65, %dma_wait3A_66] : memref<3x256x128xf32, #tpu.memory_space<vmem>> -> memref<1x128x128xf32, #tpu.memory_space<vmem>>
    %dma_wait3A_68 = tpu.memref_squeeze %dma_wait3A_67 : memref<1x128x128xf32, #tpu.memory_space<vmem>> -> memref<128x128xf32, #tpu.memory_space<vmem>>
    %dma_wait3A_69 = arith.constant 0 : i32
    %dma_wait3A_70 = tpu.memref_slice %arg5[%dma_wait3A_63, %dma_wait3A_69] : memref<200x128xi32, #tpu.memory_space<vmem>> -> memref<1x128xi32, #tpu.memory_space<vmem>>
    %dma_wait3A_71 = tpu.memref_squeeze %dma_wait3A_70 : memref<1x128xi32, #tpu.memory_space<vmem>> -> memref<128xi32, #tpu.memory_space<vmem>>
    %dma_wait3A_72 = arith.constant 0 : i32
    %dma_wait3A_73 = arith.constant 0 : i32
    %dma_wait3A_74 = tpu.memref_slice %arg2[%dma_wait3A_72, %dma_wait3A_73] : memref<1000000x128xf32, #tpu.memory_space<hbm>> -> memref<1000000x128xf32, #tpu.memory_space<hbm>>
    tpu.wait_indirect_dma semaphore(%arg7 : memref<!tpu.dma_semaphore, #tpu.memory_space<semaphore_mem>>) src(%dma_wait3A_74 : memref<1000000x128xf32, #tpu.memory_space<hbm>>) dst(%dma_wait3A_68 : memref<128x128xf32, #tpu.memory_space<vmem>>)
    %add3A_75 = arith.constant 0 : i32
    %add3A_76 = arith.addi %mul3A_2, %add3A_75 : i32
    %mul3A_77 = arith.constant 256 : i32
    %mul3A_78 = arith.muli %add3A_76, %mul3A_77 : i32
    %dma_start3A_79 = arith.constant 0 : i32
    %dma_start3A_80 = arith.constant 0 : i32
    %dma_start3A_81 = arith.constant 0 : i32
    %dma_start3A_82 = tpu.memref_slice %arg6[%dma_start3A_79, %dma_start3A_80, %dma_start3A_81] : memref<3x256x128xf32, #tpu.memory_space<vmem>> -> memref<1x256x128xf32, #tpu.memory_space<vmem>>
    %dma_start3A_83 = tpu.memref_squeeze %dma_start3A_82 : memref<1x256x128xf32, #tpu.memory_space<vmem>> -> memref<256x128xf32, #tpu.memory_space<vmem>>
    %dma_start3A_84 = arith.constant 0 : i32
    %dma_start3A_85 = tpu.memref_slice %arg4[%mul3A_78, %dma_start3A_84] : memref<819200x128xf32, #tpu.memory_space<hbm>> -> memref<256x128xf32, #tpu.memory_space<hbm>>
    %dma_start3A_86 = arith.constant 0 : i32
    %dma_start3A_87 = tpu.memref_slice %arg4[%mul3A_78, %dma_start3A_86] : memref<819200x128xf32, #tpu.memory_space<hbm>> -> memref<256x128xf32, #tpu.memory_space<hbm>>
    %dma_start3A_88 = arith.constant 0 : i32
    %dma_start3A_89 = arith.constant 0 : i32
    %dma_start3A_90 = tpu.memref_slice %arg6[%dma_start3A_79, %dma_start3A_88, %dma_start3A_89] : memref<3x256x128xf32, #tpu.memory_space<vmem>> -> memref<1x256x128xf32, #tpu.memory_space<vmem>>
    %dma_start3A_91 = tpu.memref_squeeze %dma_start3A_90 : memref<1x256x128xf32, #tpu.memory_space<vmem>> -> memref<256x128xf32, #tpu.memory_space<vmem>>
    tpu.enqueue_dma source(%dma_start3A_91 : memref<256x128xf32, #tpu.memory_space<vmem>>) target(%dma_start3A_87 : memref<256x128xf32, #tpu.memory_space<hbm>>) target_semaphore(%arg10 : memref<!tpu.dma_semaphore, #tpu.memory_space<semaphore_mem>>)
    %dma_start3A_92 = arith.constant 4 : i32
    %dma_start3A_93 = arith.constant 2 : i32
    %dma_start3A_94 = arith.constant 0 : i32
    %dma_start3A_95 = arith.constant 0 : i32
    %dma_start3A_96 = tpu.memref_slice %arg6[%dma_start3A_93, %dma_start3A_94, %dma_start3A_95] : memref<3x256x128xf32, #tpu.memory_space<vmem>> -> memref<1x128x128xf32, #tpu.memory_space<vmem>>
    %dma_start3A_97 = tpu.memref_squeeze %dma_start3A_96 : memref<1x128x128xf32, #tpu.memory_space<vmem>> -> memref<128x128xf32, #tpu.memory_space<vmem>>
    %dma_start3A_98 = arith.constant 0 : i32
    %dma_start3A_99 = tpu.memref_slice %arg5[%dma_start3A_92, %dma_start3A_98] : memref<200x128xi32, #tpu.memory_space<vmem>> -> memref<1x128xi32, #tpu.memory_space<vmem>>
    %dma_start3A_100 = tpu.memref_squeeze %dma_start3A_99 : memref<1x128xi32, #tpu.memory_space<vmem>> -> memref<128xi32, #tpu.memory_space<vmem>>
    %dma_start3A_101 = arith.constant 0 : i32
    %dma_start3A_102 = arith.constant 0 : i32
    %dma_start3A_103 = tpu.memref_slice %arg2[%dma_start3A_101, %dma_start3A_102] : memref<1000000x128xf32, #tpu.memory_space<hbm>> -> memref<1000000x128xf32, #tpu.memory_space<hbm>>
    tpu.enqueue_indirect_dma source(%dma_start3A_103 : memref<1000000x128xf32, #tpu.memory_space<hbm>>) target(%dma_start3A_97 : memref<128x128xf32, #tpu.memory_space<vmem>>) offsets(%dma_start3A_100 : memref<128xi32, #tpu.memory_space<vmem>>) semaphore(%arg9 : memref<!tpu.dma_semaphore, #tpu.memory_space<semaphore_mem>>)
    %dma_start3A_104 = arith.constant 5 : i32
    %dma_start3A_105 = arith.constant 2 : i32
    %dma_start3A_106 = arith.constant 128 : i32
    %dma_start3A_107 = arith.constant 0 : i32
    %dma_start3A_108 = tpu.memref_slice %arg6[%dma_start3A_105, %dma_start3A_106, %dma_start3A_107] : memref<3x256x128xf32, #tpu.memory_space<vmem>> -> memref<1x128x128xf32, #tpu.memory_space<vmem>>
    %dma_start3A_109 = tpu.memref_squeeze %dma_start3A_108 : memref<1x128x128xf32, #tpu.memory_space<vmem>> -> memref<128x128xf32, #tpu.memory_space<vmem>>
    %dma_start3A_110 = arith.constant 0 : i32
    %dma_start3A_111 = tpu.memref_slice %arg5[%dma_start3A_104, %dma_start3A_110] : memref<200x128xi32, #tpu.memory_space<vmem>> -> memref<1x128xi32, #tpu.memory_space<vmem>>
    %dma_start3A_112 = tpu.memref_squeeze %dma_start3A_111 : memref<1x128xi32, #tpu.memory_space<vmem>> -> memref<128xi32, #tpu.memory_space<vmem>>
    %dma_start3A_113 = arith.constant 0 : i32
    %dma_start3A_114 = arith.constant 0 : i32
    %dma_start3A_115 = tpu.memref_slice %arg2[%dma_start3A_113, %dma_start3A_114] : memref<1000000x128xf32, #tpu.memory_space<hbm>> -> memref<1000000x128xf32, #tpu.memory_space<hbm>>
    tpu.enqueue_indirect_dma source(%dma_start3A_115 : memref<1000000x128xf32, #tpu.memory_space<hbm>>) target(%dma_start3A_109 : memref<128x128xf32, #tpu.memory_space<vmem>>) offsets(%dma_start3A_112 : memref<128xi32, #tpu.memory_space<vmem>>) semaphore(%arg9 : memref<!tpu.dma_semaphore, #tpu.memory_space<semaphore_mem>>)
    %dma_wait3A_116 = arith.constant 2 : i32
    %dma_wait3A_117 = arith.constant 1 : i32
    %dma_wait3A_118 = arith.constant 0 : i32
    %dma_wait3A_119 = arith.constant 0 : i32
    %dma_wait3A_120 = tpu.memref_slice %arg6[%dma_wait3A_117, %dma_wait3A_118, %dma_wait3A_119] : memref<3x256x128xf32, #tpu.memory_space<vmem>> -> memref<1x128x128xf32, #tpu.memory_space<vmem>>
    %dma_wait3A_121 = tpu.memref_squeeze %dma_wait3A_120 : memref<1x128x128xf32, #tpu.memory_space<vmem>> -> memref<128x128xf32, #tpu.memory_space<vmem>>
    %dma_wait3A_122 = arith.constant 0 : i32
    %dma_wait3A_123 = tpu.memref_slice %arg5[%dma_wait3A_116, %dma_wait3A_122] : memref<200x128xi32, #tpu.memory_space<vmem>> -> memref<1x128xi32, #tpu.memory_space<vmem>>
    %dma_wait3A_124 = tpu.memref_squeeze %dma_wait3A_123 : memref<1x128xi32, #tpu.memory_space<vmem>> -> memref<128xi32, #tpu.memory_space<vmem>>
    %dma_wait3A_125 = arith.constant 0 : i32
    %dma_wait3A_126 = arith.constant 0 : i32
    %dma_wait3A_127 = tpu.memref_slice %arg2[%dma_wait3A_125, %dma_wait3A_126] : memref<1000000x128xf32, #tpu.memory_space<hbm>> -> memref<1000000x128xf32, #tpu.memory_space<hbm>>
    tpu.wait_indirect_dma semaphore(%arg8 : memref<!tpu.dma_semaphore, #tpu.memory_space<semaphore_mem>>) src(%dma_wait3A_127 : memref<1000000x128xf32, #tpu.memory_space<hbm>>) dst(%dma_wait3A_121 : memref<128x128xf32, #tpu.memory_space<vmem>>)
    %dma_wait3A_128 = arith.constant 3 : i32
    %dma_wait3A_129 = arith.constant 1 : i32
    %dma_wait3A_130 = arith.constant 128 : i32
    %dma_wait3A_131 = arith.constant 0 : i32
    %dma_wait3A_132 = tpu.memref_slice %arg6[%dma_wait3A_129, %dma_wait3A_130, %dma_wait3A_131] : memref<3x256x128xf32, #tpu.memory_space<vmem>> -> memref<1x128x128xf32, #tpu.memory_space<vmem>>
    %dma_wait3A_133 = tpu.memref_squeeze %dma_wait3A_132 : memref<1x128x128xf32, #tpu.memory_space<vmem>> -> memref<128x128xf32, #tpu.memory_space<vmem>>
    %dma_wait3A_134 = arith.constant 0 : i32
    %dma_wait3A_135 = tpu.memref_slice %arg5[%dma_wait3A_128, %dma_wait3A_134] : memref<200x128xi32, #tpu.memory_space<vmem>> -> memref<1x128xi32, #tpu.memory_space<vmem>>
    %dma_wait3A_136 = tpu.memref_squeeze %dma_wait3A_135 : memref<1x128xi32, #tpu.memory_space<vmem>> -> memref<128xi32, #tpu.memory_space<vmem>>
    %dma_wait3A_137 = arith.constant 0 : i32
    %dma_wait3A_138 = arith.constant 0 : i32
    %dma_wait3A_139 = tpu.memref_slice %arg2[%dma_wait3A_137, %dma_wait3A_138] : memref<1000000x128xf32, #tpu.memory_space<hbm>> -> memref<1000000x128xf32, #tpu.memory_space<hbm>>
    tpu.wait_indirect_dma semaphore(%arg8 : memref<!tpu.dma_semaphore, #tpu.memory_space<semaphore_mem>>) src(%dma_wait3A_139 : memref<1000000x128xf32, #tpu.memory_space<hbm>>) dst(%dma_wait3A_133 : memref<128x128xf32, #tpu.memory_space<vmem>>)
    %add3A_140 = arith.constant 1 : i32
    %add3A_141 = arith.addi %mul3A_2, %add3A_140 : i32
    %mul3A_142 = arith.constant 256 : i32
    %mul3A_143 = arith.muli %add3A_141, %mul3A_142 : i32
    %dma_start3A_144 = arith.constant 1 : i32
    %dma_start3A_145 = arith.constant 0 : i32
    %dma_start3A_146 = arith.constant 0 : i32
    %dma_start3A_147 = tpu.memref_slice %arg6[%dma_start3A_144, %dma_start3A_145, %dma_start3A_146] : memref<3x256x128xf32, #tpu.memory_space<vmem>> -> memref<1x256x128xf32, #tpu.memory_space<vmem>>
    %dma_start3A_148 = tpu.memref_squeeze %dma_start3A_147 : memref<1x256x128xf32, #tpu.memory_space<vmem>> -> memref<256x128xf32, #tpu.memory_space<vmem>>
    %dma_start3A_149 = arith.constant 0 : i32
    %dma_start3A_150 = tpu.memref_slice %arg4[%mul3A_143, %dma_start3A_149] : memref<819200x128xf32, #tpu.memory_space<hbm>> -> memref<256x128xf32, #tpu.memory_space<hbm>>
    %dma_start3A_151 = arith.constant 0 : i32
    %dma_start3A_152 = tpu.memref_slice %arg4[%mul3A_143, %dma_start3A_151] : memref<819200x128xf32, #tpu.memory_space<hbm>> -> memref<256x128xf32, #tpu.memory_space<hbm>>
    %dma_start3A_153 = arith.constant 0 : i32
    %dma_start3A_154 = arith.constant 0 : i32
    %dma_start3A_155 = tpu.memref_slice %arg6[%dma_start3A_144, %dma_start3A_153, %dma_start3A_154] : memref<3x256x128xf32, #tpu.memory_space<vmem>> -> memref<1x256x128xf32, #tpu.memory_space<vmem>>
    %dma_start3A_156 = tpu.memref_squeeze %dma_start3A_155 : memref<1x256x128xf32, #tpu.memory_space<vmem>> -> memref<256x128xf32, #tpu.memory_space<vmem>>
    tpu.enqueue_dma source(%dma_start3A_156 : memref<256x128xf32, #tpu.memory_space<vmem>>) target(%dma_start3A_152 : memref<256x128xf32, #tpu.memory_space<hbm>>) target_semaphore(%arg11 : memref<!tpu.dma_semaphore, #tpu.memory_space<semaphore_mem>>)
    %add3A_157 = arith.constant 0 : i32
    %add3A_158 = arith.addi %mul3A_2, %add3A_157 : i32
    %mul3A_159 = arith.constant 256 : i32
    %mul3A_160 = arith.muli %add3A_158, %mul3A_159 : i32
    %dma_wait3A_161 = arith.constant 0 : i32
    %dma_wait3A_162 = arith.constant 0 : i32
    %dma_wait3A_163 = arith.constant 0 : i32
    %dma_wait3A_164 = tpu.memref_slice %arg6[%dma_wait3A_161, %dma_wait3A_162, %dma_wait3A_163] : memref<3x256x128xf32, #tpu.memory_space<vmem>> -> memref<1x256x128xf32, #tpu.memory_space<vmem>>
    %dma_wait3A_165 = tpu.memref_squeeze %dma_wait3A_164 : memref<1x256x128xf32, #tpu.memory_space<vmem>> -> memref<256x128xf32, #tpu.memory_space<vmem>>
    %dma_wait3A_166 = arith.constant 0 : i32
    %dma_wait3A_167 = tpu.memref_slice %arg4[%mul3A_160, %dma_wait3A_166] : memref<819200x128xf32, #tpu.memory_space<hbm>> -> memref<256x128xf32, #tpu.memory_space<hbm>>
    %dma_wait3A_168 = arith.constant 0 : i32
    %dma_wait3A_169 = tpu.memref_slice %arg4[%mul3A_160, %dma_wait3A_168] : memref<819200x128xf32, #tpu.memory_space<hbm>> -> memref<256x128xf32, #tpu.memory_space<hbm>>
    %dma_wait3A_170 = arith.constant 0 : i32
    %dma_wait3A_171 = arith.constant 0 : i32
    %dma_wait3A_172 = tpu.memref_slice %arg6[%dma_wait3A_161, %dma_wait3A_170, %dma_wait3A_171] : memref<3x256x128xf32, #tpu.memory_space<vmem>> -> memref<1x256x128xf32, #tpu.memory_space<vmem>>
    %dma_wait3A_173 = tpu.memref_squeeze %dma_wait3A_172 : memref<1x256x128xf32, #tpu.memory_space<vmem>> -> memref<256x128xf32, #tpu.memory_space<vmem>>
    tpu.wait_dma2 semaphore(%arg10 : memref<!tpu.dma_semaphore, #tpu.memory_space<semaphore_mem>>) src(%dma_wait3A_173 : memref<256x128xf32, #tpu.memory_space<vmem>>) dst(%dma_wait3A_169 : memref<256x128xf32, #tpu.memory_space<hbm>>)
    %dma_start3A_174 = arith.constant 6 : i32
    %dma_start3A_175 = arith.constant 0 : i32
    %dma_start3A_176 = arith.constant 0 : i32
    %dma_start3A_177 = arith.constant 0 : i32
    %dma_start3A_178 = tpu.memref_slice %arg6[%dma_start3A_175, %dma_start3A_176, %dma_start3A_177] : memref<3x256x128xf32, #tpu.memory_space<vmem>> -> memref<1x128x128xf32, #tpu.memory_space<vmem>>
    %dma_start3A_179 = tpu.memref_squeeze %dma_start3A_178 : memref<1x128x128xf32, #tpu.memory_space<vmem>> -> memref<128x128xf32, #tpu.memory_space<vmem>>
    %dma_start3A_180 = arith.constant 0 : i32
    %dma_start3A_181 = tpu.memref_slice %arg5[%dma_start3A_174, %dma_start3A_180] : memref<200x128xi32, #tpu.memory_space<vmem>> -> memref<1x128xi32, #tpu.memory_space<vmem>>
    %dma_start3A_182 = tpu.memref_squeeze %dma_start3A_181 : memref<1x128xi32, #tpu.memory_space<vmem>> -> memref<128xi32, #tpu.memory_space<vmem>>
    %dma_start3A_183 = arith.constant 0 : i32
    %dma_start3A_184 = arith.constant 0 : i32
    %dma_start3A_185 = tpu.memref_slice %arg2[%dma_start3A_183, %dma_start3A_184] : memref<1000000x128xf32, #tpu.memory_space<hbm>> -> memref<1000000x128xf32, #tpu.memory_space<hbm>>
    tpu.enqueue_indirect_dma source(%dma_start3A_185 : memref<1000000x128xf32, #tpu.memory_space<hbm>>) target(%dma_start3A_179 : memref<128x128xf32, #tpu.memory_space<vmem>>) offsets(%dma_start3A_182 : memref<128xi32, #tpu.memory_space<vmem>>) semaphore(%arg7 : memref<!tpu.dma_semaphore, #tpu.memory_space<semaphore_mem>>)
    %dma_start3A_186 = arith.constant 7 : i32
    %dma_start3A_187 = arith.constant 0 : i32
    %dma_start3A_188 = arith.constant 128 : i32
    %dma_start3A_189 = arith.constant 0 : i32
    %dma_start3A_190 = tpu.memref_slice %arg6[%dma_start3A_187, %dma_start3A_188, %dma_start3A_189] : memref<3x256x128xf32, #tpu.memory_space<vmem>> -> memref<1x128x128xf32, #tpu.memory_space<vmem>>
    %dma_start3A_191 = tpu.memref_squeeze %dma_start3A_190 : memref<1x128x128xf32, #tpu.memory_space<vmem>> -> memref<128x128xf32, #tpu.memory_space<vmem>>
    %dma_start3A_192 = arith.constant 0 : i32
    %dma_start3A_193 = tpu.memref_slice %arg5[%dma_start3A_186, %dma_start3A_192] : memref<200x128xi32, #tpu.memory_space<vmem>> -> memref<1x128xi32, #tpu.memory_space<vmem>>
    %dma_start3A_194 = tpu.memref_squeeze %dma_start3A_193 : memref<1x128xi32, #tpu.memory_space<vmem>> -> memref<128xi32, #tpu.memory_space<vmem>>
    %dma_start3A_195 = arith.constant 0 : i32
    %dma_start3A_196 = arith.constant 0 : i32
    %dma_start3A_197 = tpu.memref_slice %arg2[%dma_start3A_195, %dma_start3A_196] : memref<1000000x128xf32, #tpu.memory_space<hbm>> -> memref<1000000x128xf32, #tpu.memory_space<hbm>>
    tpu.enqueue_indirect_dma source(%dma_start3A_197 : memref<1000000x128xf32, #tpu.memory_space<hbm>>) target(%dma_start3A_191 : memref<128x128xf32, #tpu.memory_space<vmem>>) offsets(%dma_start3A_194 : memref<128xi32, #tpu.memory_space<vmem>>) semaphore(%arg7 : memref<!tpu.dma_semaphore, #tpu.memory_space<semaphore_mem>>)
    %scan3A = arith.constant 0 : i32
    %scan3A_198 = arith.constant 0 : i32
    %scan3A_199 = arith.constant 32 : i32
    %scan3A_200 = arith.addi %scan3A_198, %scan3A_199 : i32
    %scan3A_201 = arith.constant 1 : i32
    scf.for %scan3A_336 = %scan3A_198 to %scan3A_200 step %scan3A_201  : i32 {
      %mul3A_337 = arith.constant 3 : i32
      %mul3A_338 = arith.muli %scan3A_336, %mul3A_337 : i32
      %add3A_339 = arith.constant 2 : i32
      %add3A_340 = arith.addi %add3A_339, %mul3A_338 : i32
      %add3A_341 = arith.constant 0 : i32
      %add3A_342 = arith.addi %add3A_340, %add3A_341 : i32
      %mul3A_343 = arith.constant 2 : i32
      %mul3A_344 = arith.muli %add3A_342, %mul3A_343 : i32
      %add3A_345 = arith.constant 0 : i32
      %add3A_346 = arith.addi %mul3A_344, %add3A_345 : i32
      %mul3A_347 = arith.constant 2 : i32
      %mul3A_348 = arith.muli %add3A_342, %mul3A_347 : i32
      %add3A_349 = arith.constant 1 : i32
      %add3A_350 = arith.addi %mul3A_348, %add3A_349 : i32
      %dma_wait3A_351 = arith.constant 2 : i32
      %dma_wait3A_352 = arith.constant 0 : i32
      %dma_wait3A_353 = arith.constant 0 : i32
      %dma_wait3A_354 = tpu.memref_slice %arg6[%dma_wait3A_351, %dma_wait3A_352, %dma_wait3A_353] : memref<3x256x128xf32, #tpu.memory_space<vmem>> -> memref<1x128x128xf32, #tpu.memory_space<vmem>>
      %dma_wait3A_355 = tpu.memref_squeeze %dma_wait3A_354 : memref<1x128x128xf32, #tpu.memory_space<vmem>> -> memref<128x128xf32, #tpu.memory_space<vmem>>
      %dma_wait3A_356 = arith.constant 0 : i32
      %dma_wait3A_357 = tpu.memref_slice %arg5[%add3A_346, %dma_wait3A_356] : memref<200x128xi32, #tpu.memory_space<vmem>> -> memref<1x128xi32, #tpu.memory_space<vmem>>
      %dma_wait3A_358 = tpu.memref_squeeze %dma_wait3A_357 : memref<1x128xi32, #tpu.memory_space<vmem>> -> memref<128xi32, #tpu.memory_space<vmem>>
      %dma_wait3A_359 = arith.constant 0 : i32
      %dma_wait3A_360 = arith.constant 0 : i32
      %dma_wait3A_361 = tpu.memref_slice %arg2[%dma_wait3A_359, %dma_wait3A_360] : memref<1000000x128xf32, #tpu.memory_space<hbm>> -> memref<1000000x128xf32, #tpu.memory_space<hbm>>
      tpu.wait_indirect_dma semaphore(%arg9 : memref<!tpu.dma_semaphore, #tpu.memory_space<semaphore_mem>>) src(%dma_wait3A_361 : memref<1000000x128xf32, #tpu.memory_space<hbm>>) dst(%dma_wait3A_355 : memref<128x128xf32, #tpu.memory_space<vmem>>)
      %dma_wait3A_362 = arith.constant 2 : i32
      %dma_wait3A_363 = arith.constant 128 : i32
      %dma_wait3A_364 = arith.constant 0 : i32
      %dma_wait3A_365 = tpu.memref_slice %arg6[%dma_wait3A_362, %dma_wait3A_363, %dma_wait3A_364] : memref<3x256x128xf32, #tpu.memory_space<vmem>> -> memref<1x128x128xf32, #tpu.memory_space<vmem>>
      %dma_wait3A_366 = tpu.memref_squeeze %dma_wait3A_365 : memref<1x128x128xf32, #tpu.memory_space<vmem>> -> memref<128x128xf32, #tpu.memory_space<vmem>>
      %dma_wait3A_367 = arith.constant 0 : i32
      %dma_wait3A_368 = tpu.memref_slice %arg5[%add3A_350, %dma_wait3A_367] : memref<200x128xi32, #tpu.memory_space<vmem>> -> memref<1x128xi32, #tpu.memory_space<vmem>>
      %dma_wait3A_369 = tpu.memref_squeeze %dma_wait3A_368 : memref<1x128xi32, #tpu.memory_space<vmem>> -> memref<128xi32, #tpu.memory_space<vmem>>
      %dma_wait3A_370 = arith.constant 0 : i32
      %dma_wait3A_371 = arith.constant 0 : i32
      %dma_wait3A_372 = tpu.memref_slice %arg2[%dma_wait3A_370, %dma_wait3A_371] : memref<1000000x128xf32, #tpu.memory_space<hbm>> -> memref<1000000x128xf32, #tpu.memory_space<hbm>>
      tpu.wait_indirect_dma semaphore(%arg9 : memref<!tpu.dma_semaphore, #tpu.memory_space<semaphore_mem>>) src(%dma_wait3A_372 : memref<1000000x128xf32, #tpu.memory_space<hbm>>) dst(%dma_wait3A_366 : memref<128x128xf32, #tpu.memory_space<vmem>>)
      %add3A_373 = arith.addi %mul3A_2, %add3A_342 : i32
      %mul3A_374 = arith.constant 256 : i32
      %mul3A_375 = arith.muli %add3A_373, %mul3A_374 : i32
      %dma_start3A_376 = arith.constant 2 : i32
      %dma_start3A_377 = arith.constant 0 : i32
      %dma_start3A_378 = arith.constant 0 : i32
      %dma_start3A_379 = tpu.memref_slice %arg6[%dma_start3A_376, %dma_start3A_377, %dma_start3A_378] : memref<3x256x128xf32, #tpu.memory_space<vmem>> -> memref<1x256x128xf32, #tpu.memory_space<vmem>>
      %dma_start3A_380 = tpu.memref_squeeze %dma_start3A_379 : memref<1x256x128xf32, #tpu.memory_space<vmem>> -> memref<256x128xf32, #tpu.memory_space<vmem>>
      %dma_start3A_381 = arith.constant 0 : i32
      %dma_start3A_382 = tpu.memref_slice %arg4[%mul3A_375, %dma_start3A_381] : memref<819200x128xf32, #tpu.memory_space<hbm>> -> memref<256x128xf32, #tpu.memory_space<hbm>>
      %dma_start3A_383 = arith.constant 0 : i32
      %dma_start3A_384 = tpu.memref_slice %arg4[%mul3A_375, %dma_start3A_383] : memref<819200x128xf32, #tpu.memory_space<hbm>> -> memref<256x128xf32, #tpu.memory_space<hbm>>
      %dma_start3A_385 = arith.constant 0 : i32
      %dma_start3A_386 = arith.constant 0 : i32
      %dma_start3A_387 = tpu.memref_slice %arg6[%dma_start3A_376, %dma_start3A_385, %dma_start3A_386] : memref<3x256x128xf32, #tpu.memory_space<vmem>> -> memref<1x256x128xf32, #tpu.memory_space<vmem>>
      %dma_start3A_388 = tpu.memref_squeeze %dma_start3A_387 : memref<1x256x128xf32, #tpu.memory_space<vmem>> -> memref<256x128xf32, #tpu.memory_space<vmem>>
      tpu.enqueue_dma source(%dma_start3A_388 : memref<256x128xf32, #tpu.memory_space<vmem>>) target(%dma_start3A_384 : memref<256x128xf32, #tpu.memory_space<hbm>>) target_semaphore(%arg12 : memref<!tpu.dma_semaphore, #tpu.memory_space<semaphore_mem>>)
      %sub3A = arith.constant 1 : i32
      %sub3A_389 = arith.subi %add3A_342, %sub3A : i32
      %add3A_390 = arith.addi %mul3A_2, %sub3A_389 : i32
      %mul3A_391 = arith.constant 256 : i32
      %mul3A_392 = arith.muli %add3A_390, %mul3A_391 : i32
      %dma_wait3A_393 = arith.constant 1 : i32
      %dma_wait3A_394 = arith.constant 0 : i32
      %dma_wait3A_395 = arith.constant 0 : i32
      %dma_wait3A_396 = tpu.memref_slice %arg6[%dma_wait3A_393, %dma_wait3A_394, %dma_wait3A_395] : memref<3x256x128xf32, #tpu.memory_space<vmem>> -> memref<1x256x128xf32, #tpu.memory_space<vmem>>
      %dma_wait3A_397 = tpu.memref_squeeze %dma_wait3A_396 : memref<1x256x128xf32, #tpu.memory_space<vmem>> -> memref<256x128xf32, #tpu.memory_space<vmem>>
      %dma_wait3A_398 = arith.constant 0 : i32
      %dma_wait3A_399 = tpu.memref_slice %arg4[%mul3A_392, %dma_wait3A_398] : memref<819200x128xf32, #tpu.memory_space<hbm>> -> memref<256x128xf32, #tpu.memory_space<hbm>>
      %dma_wait3A_400 = arith.constant 0 : i32
      %dma_wait3A_401 = tpu.memref_slice %arg4[%mul3A_392, %dma_wait3A_400] : memref<819200x128xf32, #tpu.memory_space<hbm>> -> memref<256x128xf32, #tpu.memory_space<hbm>>
      %dma_wait3A_402 = arith.constant 0 : i32
      %dma_wait3A_403 = arith.constant 0 : i32
      %dma_wait3A_404 = tpu.memref_slice %arg6[%dma_wait3A_393, %dma_wait3A_402, %dma_wait3A_403] : memref<3x256x128xf32, #tpu.memory_space<vmem>> -> memref<1x256x128xf32, #tpu.memory_space<vmem>>
      %dma_wait3A_405 = tpu.memref_squeeze %dma_wait3A_404 : memref<1x256x128xf32, #tpu.memory_space<vmem>> -> memref<256x128xf32, #tpu.memory_space<vmem>>
      tpu.wait_dma2 semaphore(%arg11 : memref<!tpu.dma_semaphore, #tpu.memory_space<semaphore_mem>>) src(%dma_wait3A_405 : memref<256x128xf32, #tpu.memory_space<vmem>>) dst(%dma_wait3A_401 : memref<256x128xf32, #tpu.memory_space<hbm>>)
      %add3A_406 = arith.constant 2 : i32
      %add3A_407 = arith.addi %add3A_342, %add3A_406 : i32
      %mul3A_408 = arith.constant 2 : i32
      %mul3A_409 = arith.muli %add3A_407, %mul3A_408 : i32
      %add3A_410 = arith.constant 0 : i32
      %add3A_411 = arith.addi %mul3A_409, %add3A_410 : i32
      %mul3A_412 = arith.constant 2 : i32
      %mul3A_413 = arith.muli %add3A_407, %mul3A_412 : i32
      %add3A_414 = arith.constant 1 : i32
      %add3A_415 = arith.addi %mul3A_413, %add3A_414 : i32
      %dma_start3A_416 = arith.constant 1 : i32
      %dma_start3A_417 = arith.constant 0 : i32
      %dma_start3A_418 = arith.constant 0 : i32
      %dma_start3A_419 = tpu.memref_slice %arg6[%dma_start3A_416, %dma_start3A_417, %dma_start3A_418] : memref<3x256x128xf32, #tpu.memory_space<vmem>> -> memref<1x128x128xf32, #tpu.memory_space<vmem>>
      %dma_start3A_420 = tpu.memref_squeeze %dma_start3A_419 : memref<1x128x128xf32, #tpu.memory_space<vmem>> -> memref<128x128xf32, #tpu.memory_space<vmem>>
      %dma_start3A_421 = arith.constant 0 : i32
      %dma_start3A_422 = tpu.memref_slice %arg5[%add3A_411, %dma_start3A_421] : memref<200x128xi32, #tpu.memory_space<vmem>> -> memref<1x128xi32, #tpu.memory_space<vmem>>
      %dma_start3A_423 = tpu.memref_squeeze %dma_start3A_422 : memref<1x128xi32, #tpu.memory_space<vmem>> -> memref<128xi32, #tpu.memory_space<vmem>>
      %dma_start3A_424 = arith.constant 0 : i32
      %dma_start3A_425 = arith.constant 0 : i32
      %dma_start3A_426 = tpu.memref_slice %arg2[%dma_start3A_424, %dma_start3A_425] : memref<1000000x128xf32, #tpu.memory_space<hbm>> -> memref<1000000x128xf32, #tpu.memory_space<hbm>>
      tpu.enqueue_indirect_dma source(%dma_start3A_426 : memref<1000000x128xf32, #tpu.memory_space<hbm>>) target(%dma_start3A_420 : memref<128x128xf32, #tpu.memory_space<vmem>>) offsets(%dma_start3A_423 : memref<128xi32, #tpu.memory_space<vmem>>) semaphore(%arg8 : memref<!tpu.dma_semaphore, #tpu.memory_space<semaphore_mem>>)
      %dma_start3A_427 = arith.constant 1 : i32
      %dma_start3A_428 = arith.constant 128 : i32
      %dma_start3A_429 = arith.constant 0 : i32
      %dma_start3A_430 = tpu.memref_slice %arg6[%dma_start3A_427, %dma_start3A_428, %dma_start3A_429] : memref<3x256x128xf32, #tpu.memory_space<vmem>> -> memref<1x128x128xf32, #tpu.memory_space<vmem>>
      %dma_start3A_431 = tpu.memref_squeeze %dma_start3A_430 : memref<1x128x128xf32, #tpu.memory_space<vmem>> -> memref<128x128xf32, #tpu.memory_space<vmem>>
      %dma_start3A_432 = arith.constant 0 : i32
      %dma_start3A_433 = tpu.memref_slice %arg5[%add3A_415, %dma_start3A_432] : memref<200x128xi32, #tpu.memory_space<vmem>> -> memref<1x128xi32, #tpu.memory_space<vmem>>
      %dma_start3A_434 = tpu.memref_squeeze %dma_start3A_433 : memref<1x128xi32, #tpu.memory_space<vmem>> -> memref<128xi32, #tpu.memory_space<vmem>>
      %dma_start3A_435 = arith.constant 0 : i32
      %dma_start3A_436 = arith.constant 0 : i32
      %dma_start3A_437 = tpu.memref_slice %arg2[%dma_start3A_435, %dma_start3A_436] : memref<1000000x128xf32, #tpu.memory_space<hbm>> -> memref<1000000x128xf32, #tpu.memory_space<hbm>>
      tpu.enqueue_indirect_dma source(%dma_start3A_437 : memref<1000000x128xf32, #tpu.memory_space<hbm>>) target(%dma_start3A_431 : memref<128x128xf32, #tpu.memory_space<vmem>>) offsets(%dma_start3A_434 : memref<128xi32, #tpu.memory_space<vmem>>) semaphore(%arg8 : memref<!tpu.dma_semaphore, #tpu.memory_space<semaphore_mem>>)
      %mul3A_438 = arith.constant 3 : i32
      %mul3A_439 = arith.muli %scan3A_336, %mul3A_438 : i32
      %add3A_440 = arith.constant 2 : i32
      %add3A_441 = arith.addi %add3A_440, %mul3A_439 : i32
      %add3A_442 = arith.constant 1 : i32
      %add3A_443 = arith.addi %add3A_441, %add3A_442 : i32
      %mul3A_444 = arith.constant 2 : i32
      %mul3A_445 = arith.muli %add3A_443, %mul3A_444 : i32
      %add3A_446 = arith.constant 0 : i32
      %add3A_447 = arith.addi %mul3A_445, %add3A_446 : i32
      %mul3A_448 = arith.constant 2 : i32
      %mul3A_449 = arith.muli %add3A_443, %mul3A_448 : i32
      %add3A_450 = arith.constant 1 : i32
      %add3A_451 = arith.addi %mul3A_449, %add3A_450 : i32
      %dma_wait3A_452 = arith.constant 0 : i32
      %dma_wait3A_453 = arith.constant 0 : i32
      %dma_wait3A_454 = arith.constant 0 : i32
      %dma_wait3A_455 = tpu.memref_slice %arg6[%dma_wait3A_452, %dma_wait3A_453, %dma_wait3A_454] : memref<3x256x128xf32, #tpu.memory_space<vmem>> -> memref<1x128x128xf32, #tpu.memory_space<vmem>>
      %dma_wait3A_456 = tpu.memref_squeeze %dma_wait3A_455 : memref<1x128x128xf32, #tpu.memory_space<vmem>> -> memref<128x128xf32, #tpu.memory_space<vmem>>
      %dma_wait3A_457 = arith.constant 0 : i32
      %dma_wait3A_458 = tpu.memref_slice %arg5[%add3A_447, %dma_wait3A_457] : memref<200x128xi32, #tpu.memory_space<vmem>> -> memref<1x128xi32, #tpu.memory_space<vmem>>
      %dma_wait3A_459 = tpu.memref_squeeze %dma_wait3A_458 : memref<1x128xi32, #tpu.memory_space<vmem>> -> memref<128xi32, #tpu.memory_space<vmem>>
      %dma_wait3A_460 = arith.constant 0 : i32
      %dma_wait3A_461 = arith.constant 0 : i32
      %dma_wait3A_462 = tpu.memref_slice %arg2[%dma_wait3A_460, %dma_wait3A_461] : memref<1000000x128xf32, #tpu.memory_space<hbm>> -> memref<1000000x128xf32, #tpu.memory_space<hbm>>
      tpu.wait_indirect_dma semaphore(%arg7 : memref<!tpu.dma_semaphore, #tpu.memory_space<semaphore_mem>>) src(%dma_wait3A_462 : memref<1000000x128xf32, #tpu.memory_space<hbm>>) dst(%dma_wait3A_456 : memref<128x128xf32, #tpu.memory_space<vmem>>)
      %dma_wait3A_463 = arith.constant 0 : i32
      %dma_wait3A_464 = arith.constant 128 : i32
      %dma_wait3A_465 = arith.constant 0 : i32
      %dma_wait3A_466 = tpu.memref_slice %arg6[%dma_wait3A_463, %dma_wait3A_464, %dma_wait3A_465] : memref<3x256x128xf32, #tpu.memory_space<vmem>> -> memref<1x128x128xf32, #tpu.memory_space<vmem>>
      %dma_wait3A_467 = tpu.memref_squeeze %dma_wait3A_466 : memref<1x128x128xf32, #tpu.memory_space<vmem>> -> memref<128x128xf32, #tpu.memory_space<vmem>>
      %dma_wait3A_468 = arith.constant 0 : i32
      %dma_wait3A_469 = tpu.memref_slice %arg5[%add3A_451, %dma_wait3A_468] : memref<200x128xi32, #tpu.memory_space<vmem>> -> memref<1x128xi32, #tpu.memory_space<vmem>>
      %dma_wait3A_470 = tpu.memref_squeeze %dma_wait3A_469 : memref<1x128xi32, #tpu.memory_space<vmem>> -> memref<128xi32, #tpu.memory_space<vmem>>
      %dma_wait3A_471 = arith.constant 0 : i32
      %dma_wait3A_472 = arith.constant 0 : i32
      %dma_wait3A_473 = tpu.memref_slice %arg2[%dma_wait3A_471, %dma_wait3A_472] : memref<1000000x128xf32, #tpu.memory_space<hbm>> -> memref<1000000x128xf32, #tpu.memory_space<hbm>>
      tpu.wait_indirect_dma semaphore(%arg7 : memref<!tpu.dma_semaphore, #tpu.memory_space<semaphore_mem>>) src(%dma_wait3A_473 : memref<1000000x128xf32, #tpu.memory_space<hbm>>) dst(%dma_wait3A_467 : memref<128x128xf32, #tpu.memory_space<vmem>>)
      %add3A_474 = arith.addi %mul3A_2, %add3A_443 : i32
      %mul3A_475 = arith.constant 256 : i32
      %mul3A_476 = arith.muli %add3A_474, %mul3A_475 : i32
      %dma_start3A_477 = arith.constant 0 : i32
      %dma_start3A_478 = arith.constant 0 : i32
      %dma_start3A_479 = arith.constant 0 : i32
      %dma_start3A_480 = tpu.memref_slice %arg6[%dma_start3A_477, %dma_start3A_478, %dma_start3A_479] : memref<3x256x128xf32, #tpu.memory_space<vmem>> -> memref<1x256x128xf32, #tpu.memory_space<vmem>>
      %dma_start3A_481 = tpu.memref_squeeze %dma_start3A_480 : memref<1x256x128xf32, #tpu.memory_space<vmem>> -> memref<256x128xf32, #tpu.memory_space<vmem>>
      %dma_start3A_482 = arith.constant 0 : i32
      %dma_start3A_483 = tpu.memref_slice %arg4[%mul3A_476, %dma_start3A_482] : memref<819200x128xf32, #tpu.memory_space<hbm>> -> memref<256x128xf32, #tpu.memory_space<hbm>>
      %dma_start3A_484 = arith.constant 0 : i32
      %dma_start3A_485 = tpu.memref_slice %arg4[%mul3A_476, %dma_start3A_484] : memref<819200x128xf32, #tpu.memory_space<hbm>> -> memref<256x128xf32, #tpu.memory_space<hbm>>
      %dma_start3A_486 = arith.constant 0 : i32
      %dma_start3A_487 = arith.constant 0 : i32
      %dma_start3A_488 = tpu.memref_slice %arg6[%dma_start3A_477, %dma_start3A_486, %dma_start3A_487] : memref<3x256x128xf32, #tpu.memory_space<vmem>> -> memref<1x256x128xf32, #tpu.memory_space<vmem>>
      %dma_start3A_489 = tpu.memref_squeeze %dma_start3A_488 : memref<1x256x128xf32, #tpu.memory_space<vmem>> -> memref<256x128xf32, #tpu.memory_space<vmem>>
      tpu.enqueue_dma source(%dma_start3A_489 : memref<256x128xf32, #tpu.memory_space<vmem>>) target(%dma_start3A_485 : memref<256x128xf32, #tpu.memory_space<hbm>>) target_semaphore(%arg10 : memref<!tpu.dma_semaphore, #tpu.memory_space<semaphore_mem>>)
      %sub3A_490 = arith.constant 1 : i32
      %sub3A_491 = arith.subi %add3A_443, %sub3A_490 : i32
      %add3A_492 = arith.addi %mul3A_2, %sub3A_491 : i32
      %mul3A_493 = arith.constant 256 : i32
      %mul3A_494 = arith.muli %add3A_492, %mul3A_493 : i32
      %dma_wait3A_495 = arith.constant 2 : i32
      %dma_wait3A_496 = arith.constant 0 : i32
      %dma_wait3A_497 = arith.constant 0 : i32
      %dma_wait3A_498 = tpu.memref_slice %arg6[%dma_wait3A_495, %dma_wait3A_496, %dma_wait3A_497] : memref<3x256x128xf32, #tpu.memory_space<vmem>> -> memref<1x256x128xf32, #tpu.memory_space<vmem>>
      %dma_wait3A_499 = tpu.memref_squeeze %dma_wait3A_498 : memref<1x256x128xf32, #tpu.memory_space<vmem>> -> memref<256x128xf32, #tpu.memory_space<vmem>>
      %dma_wait3A_500 = arith.constant 0 : i32
      %dma_wait3A_501 = tpu.memref_slice %arg4[%mul3A_494, %dma_wait3A_500] : memref<819200x128xf32, #tpu.memory_space<hbm>> -> memref<256x128xf32, #tpu.memory_space<hbm>>
      %dma_wait3A_502 = arith.constant 0 : i32
      %dma_wait3A_503 = tpu.memref_slice %arg4[%mul3A_494, %dma_wait3A_502] : memref<819200x128xf32, #tpu.memory_space<hbm>> -> memref<256x128xf32, #tpu.memory_space<hbm>>
      %dma_wait3A_504 = arith.constant 0 : i32
      %dma_wait3A_505 = arith.constant 0 : i32
      %dma_wait3A_506 = tpu.memref_slice %arg6[%dma_wait3A_495, %dma_wait3A_504, %dma_wait3A_505] : memref<3x256x128xf32, #tpu.memory_space<vmem>> -> memref<1x256x128xf32, #tpu.memory_space<vmem>>
      %dma_wait3A_507 = tpu.memref_squeeze %dma_wait3A_506 : memref<1x256x128xf32, #tpu.memory_space<vmem>> -> memref<256x128xf32, #tpu.memory_space<vmem>>
      tpu.wait_dma2 semaphore(%arg12 : memref<!tpu.dma_semaphore, #tpu.memory_space<semaphore_mem>>) src(%dma_wait3A_507 : memref<256x128xf32, #tpu.memory_space<vmem>>) dst(%dma_wait3A_503 : memref<256x128xf32, #tpu.memory_space<hbm>>)
      %add3A_508 = arith.constant 2 : i32
      %add3A_509 = arith.addi %add3A_443, %add3A_508 : i32
      %mul3A_510 = arith.constant 2 : i32
      %mul3A_511 = arith.muli %add3A_509, %mul3A_510 : i32
      %add3A_512 = arith.constant 0 : i32
      %add3A_513 = arith.addi %mul3A_511, %add3A_512 : i32
      %mul3A_514 = arith.constant 2 : i32
      %mul3A_515 = arith.muli %add3A_509, %mul3A_514 : i32
      %add3A_516 = arith.constant 1 : i32
      %add3A_517 = arith.addi %mul3A_515, %add3A_516 : i32
      %dma_start3A_518 = arith.constant 2 : i32
      %dma_start3A_519 = arith.constant 0 : i32
      %dma_start3A_520 = arith.constant 0 : i32
      %dma_start3A_521 = tpu.memref_slice %arg6[%dma_start3A_518, %dma_start3A_519, %dma_start3A_520] : memref<3x256x128xf32, #tpu.memory_space<vmem>> -> memref<1x128x128xf32, #tpu.memory_space<vmem>>
      %dma_start3A_522 = tpu.memref_squeeze %dma_start3A_521 : memref<1x128x128xf32, #tpu.memory_space<vmem>> -> memref<128x128xf32, #tpu.memory_space<vmem>>
      %dma_start3A_523 = arith.constant 0 : i32
      %dma_start3A_524 = tpu.memref_slice %arg5[%add3A_513, %dma_start3A_523] : memref<200x128xi32, #tpu.memory_space<vmem>> -> memref<1x128xi32, #tpu.memory_space<vmem>>
      %dma_start3A_525 = tpu.memref_squeeze %dma_start3A_524 : memref<1x128xi32, #tpu.memory_space<vmem>> -> memref<128xi32, #tpu.memory_space<vmem>>
      %dma_start3A_526 = arith.constant 0 : i32
      %dma_start3A_527 = arith.constant 0 : i32
      %dma_start3A_528 = tpu.memref_slice %arg2[%dma_start3A_526, %dma_start3A_527] : memref<1000000x128xf32, #tpu.memory_space<hbm>> -> memref<1000000x128xf32, #tpu.memory_space<hbm>>
      tpu.enqueue_indirect_dma source(%dma_start3A_528 : memref<1000000x128xf32, #tpu.memory_space<hbm>>) target(%dma_start3A_522 : memref<128x128xf32, #tpu.memory_space<vmem>>) offsets(%dma_start3A_525 : memref<128xi32, #tpu.memory_space<vmem>>) semaphore(%arg9 : memref<!tpu.dma_semaphore, #tpu.memory_space<semaphore_mem>>)
      %dma_start3A_529 = arith.constant 2 : i32
      %dma_start3A_530 = arith.constant 128 : i32
      %dma_start3A_531 = arith.constant 0 : i32
      %dma_start3A_532 = tpu.memref_slice %arg6[%dma_start3A_529, %dma_start3A_530, %dma_start3A_531] : memref<3x256x128xf32, #tpu.memory_space<vmem>> -> memref<1x128x128xf32, #tpu.memory_space<vmem>>
      %dma_start3A_533 = tpu.memref_squeeze %dma_start3A_532 : memref<1x128x128xf32, #tpu.memory_space<vmem>> -> memref<128x128xf32, #tpu.memory_space<vmem>>
      %dma_start3A_534 = arith.constant 0 : i32
      %dma_start3A_535 = tpu.memref_slice %arg5[%add3A_517, %dma_start3A_534] : memref<200x128xi32, #tpu.memory_space<vmem>> -> memref<1x128xi32, #tpu.memory_space<vmem>>
      %dma_start3A_536 = tpu.memref_squeeze %dma_start3A_535 : memref<1x128xi32, #tpu.memory_space<vmem>> -> memref<128xi32, #tpu.memory_space<vmem>>
      %dma_start3A_537 = arith.constant 0 : i32
      %dma_start3A_538 = arith.constant 0 : i32
      %dma_start3A_539 = tpu.memref_slice %arg2[%dma_start3A_537, %dma_start3A_538] : memref<1000000x128xf32, #tpu.memory_space<hbm>> -> memref<1000000x128xf32, #tpu.memory_space<hbm>>
      tpu.enqueue_indirect_dma source(%dma_start3A_539 : memref<1000000x128xf32, #tpu.memory_space<hbm>>) target(%dma_start3A_533 : memref<128x128xf32, #tpu.memory_space<vmem>>) offsets(%dma_start3A_536 : memref<128xi32, #tpu.memory_space<vmem>>) semaphore(%arg9 : memref<!tpu.dma_semaphore, #tpu.memory_space<semaphore_mem>>)
      %mul3A_540 = arith.constant 3 : i32
      %mul3A_541 = arith.muli %scan3A_336, %mul3A_540 : i32
      %add3A_542 = arith.constant 2 : i32
      %add3A_543 = arith.addi %add3A_542, %mul3A_541 : i32
      %add3A_544 = arith.constant 2 : i32
      %add3A_545 = arith.addi %add3A_543, %add3A_544 : i32
      %mul3A_546 = arith.constant 2 : i32
      %mul3A_547 = arith.muli %add3A_545, %mul3A_546 : i32
      %add3A_548 = arith.constant 0 : i32
      %add3A_549 = arith.addi %mul3A_547, %add3A_548 : i32
      %mul3A_550 = arith.constant 2 : i32
      %mul3A_551 = arith.muli %add3A_545, %mul3A_550 : i32
      %add3A_552 = arith.constant 1 : i32
      %add3A_553 = arith.addi %mul3A_551, %add3A_552 : i32
      %dma_wait3A_554 = arith.constant 1 : i32
      %dma_wait3A_555 = arith.constant 0 : i32
      %dma_wait3A_556 = arith.constant 0 : i32
      %dma_wait3A_557 = tpu.memref_slice %arg6[%dma_wait3A_554, %dma_wait3A_555, %dma_wait3A_556] : memref<3x256x128xf32, #tpu.memory_space<vmem>> -> memref<1x128x128xf32, #tpu.memory_space<vmem>>
      %dma_wait3A_558 = tpu.memref_squeeze %dma_wait3A_557 : memref<1x128x128xf32, #tpu.memory_space<vmem>> -> memref<128x128xf32, #tpu.memory_space<vmem>>
      %dma_wait3A_559 = arith.constant 0 : i32
      %dma_wait3A_560 = tpu.memref_slice %arg5[%add3A_549, %dma_wait3A_559] : memref<200x128xi32, #tpu.memory_space<vmem>> -> memref<1x128xi32, #tpu.memory_space<vmem>>
      %dma_wait3A_561 = tpu.memref_squeeze %dma_wait3A_560 : memref<1x128xi32, #tpu.memory_space<vmem>> -> memref<128xi32, #tpu.memory_space<vmem>>
      %dma_wait3A_562 = arith.constant 0 : i32
      %dma_wait3A_563 = arith.constant 0 : i32
      %dma_wait3A_564 = tpu.memref_slice %arg2[%dma_wait3A_562, %dma_wait3A_563] : memref<1000000x128xf32, #tpu.memory_space<hbm>> -> memref<1000000x128xf32, #tpu.memory_space<hbm>>
      tpu.wait_indirect_dma semaphore(%arg8 : memref<!tpu.dma_semaphore, #tpu.memory_space<semaphore_mem>>) src(%dma_wait3A_564 : memref<1000000x128xf32, #tpu.memory_space<hbm>>) dst(%dma_wait3A_558 : memref<128x128xf32, #tpu.memory_space<vmem>>)
      %dma_wait3A_565 = arith.constant 1 : i32
      %dma_wait3A_566 = arith.constant 128 : i32
      %dma_wait3A_567 = arith.constant 0 : i32
      %dma_wait3A_568 = tpu.memref_slice %arg6[%dma_wait3A_565, %dma_wait3A_566, %dma_wait3A_567] : memref<3x256x128xf32, #tpu.memory_space<vmem>> -> memref<1x128x128xf32, #tpu.memory_space<vmem>>
      %dma_wait3A_569 = tpu.memref_squeeze %dma_wait3A_568 : memref<1x128x128xf32, #tpu.memory_space<vmem>> -> memref<128x128xf32, #tpu.memory_space<vmem>>
      %dma_wait3A_570 = arith.constant 0 : i32
      %dma_wait3A_571 = tpu.memref_slice %arg5[%add3A_553, %dma_wait3A_570] : memref<200x128xi32, #tpu.memory_space<vmem>> -> memref<1x128xi32, #tpu.memory_space<vmem>>
      %dma_wait3A_572 = tpu.memref_squeeze %dma_wait3A_571 : memref<1x128xi32, #tpu.memory_space<vmem>> -> memref<128xi32, #tpu.memory_space<vmem>>
      %dma_wait3A_573 = arith.constant 0 : i32
      %dma_wait3A_574 = arith.constant 0 : i32
      %dma_wait3A_575 = tpu.memref_slice %arg2[%dma_wait3A_573, %dma_wait3A_574] : memref<1000000x128xf32, #tpu.memory_space<hbm>> -> memref<1000000x128xf32, #tpu.memory_space<hbm>>
      tpu.wait_indirect_dma semaphore(%arg8 : memref<!tpu.dma_semaphore, #tpu.memory_space<semaphore_mem>>) src(%dma_wait3A_575 : memref<1000000x128xf32, #tpu.memory_space<hbm>>) dst(%dma_wait3A_569 : memref<128x128xf32, #tpu.memory_space<vmem>>)
      %add3A_576 = arith.addi %mul3A_2, %add3A_545 : i32
      %mul3A_577 = arith.constant 256 : i32
      %mul3A_578 = arith.muli %add3A_576, %mul3A_577 : i32
      %dma_start3A_579 = arith.constant 1 : i32
      %dma_start3A_580 = arith.constant 0 : i32
      %dma_start3A_581 = arith.constant 0 : i32
      %dma_start3A_582 = tpu.memref_slice %arg6[%dma_start3A_579, %dma_start3A_580, %dma_start3A_581] : memref<3x256x128xf32, #tpu.memory_space<vmem>> -> memref<1x256x128xf32, #tpu.memory_space<vmem>>
      %dma_start3A_583 = tpu.memref_squeeze %dma_start3A_582 : memref<1x256x128xf32, #tpu.memory_space<vmem>> -> memref<256x128xf32, #tpu.memory_space<vmem>>
      %dma_start3A_584 = arith.constant 0 : i32
      %dma_start3A_585 = tpu.memref_slice %arg4[%mul3A_578, %dma_start3A_584] : memref<819200x128xf32, #tpu.memory_space<hbm>> -> memref<256x128xf32, #tpu.memory_space<hbm>>
      %dma_start3A_586 = arith.constant 0 : i32
      %dma_start3A_587 = tpu.memref_slice %arg4[%mul3A_578, %dma_start3A_586] : memref<819200x128xf32, #tpu.memory_space<hbm>> -> memref<256x128xf32, #tpu.memory_space<hbm>>
      %dma_start3A_588 = arith.constant 0 : i32
      %dma_start3A_589 = arith.constant 0 : i32
      %dma_start3A_590 = tpu.memref_slice %arg6[%dma_start3A_579, %dma_start3A_588, %dma_start3A_589] : memref<3x256x128xf32, #tpu.memory_space<vmem>> -> memref<1x256x128xf32, #tpu.memory_space<vmem>>
      %dma_start3A_591 = tpu.memref_squeeze %dma_start3A_590 : memref<1x256x128xf32, #tpu.memory_space<vmem>> -> memref<256x128xf32, #tpu.memory_space<vmem>>
      tpu.enqueue_dma source(%dma_start3A_591 : memref<256x128xf32, #tpu.memory_space<vmem>>) target(%dma_start3A_587 : memref<256x128xf32, #tpu.memory_space<hbm>>) target_semaphore(%arg11 : memref<!tpu.dma_semaphore, #tpu.memory_space<semaphore_mem>>)
      %sub3A_592 = arith.constant 1 : i32
      %sub3A_593 = arith.subi %add3A_545, %sub3A_592 : i32
      %add3A_594 = arith.addi %mul3A_2, %sub3A_593 : i32
      %mul3A_595 = arith.constant 256 : i32
      %mul3A_596 = arith.muli %add3A_594, %mul3A_595 : i32
      %dma_wait3A_597 = arith.constant 0 : i32
      %dma_wait3A_598 = arith.constant 0 : i32
      %dma_wait3A_599 = arith.constant 0 : i32
      %dma_wait3A_600 = tpu.memref_slice %arg6[%dma_wait3A_597, %dma_wait3A_598, %dma_wait3A_599] : memref<3x256x128xf32, #tpu.memory_space<vmem>> -> memref<1x256x128xf32, #tpu.memory_space<vmem>>
      %dma_wait3A_601 = tpu.memref_squeeze %dma_wait3A_600 : memref<1x256x128xf32, #tpu.memory_space<vmem>> -> memref<256x128xf32, #tpu.memory_space<vmem>>
      %dma_wait3A_602 = arith.constant 0 : i32
      %dma_wait3A_603 = tpu.memref_slice %arg4[%mul3A_596, %dma_wait3A_602] : memref<819200x128xf32, #tpu.memory_space<hbm>> -> memref<256x128xf32, #tpu.memory_space<hbm>>
      %dma_wait3A_604 = arith.constant 0 : i32
      %dma_wait3A_605 = tpu.memref_slice %arg4[%mul3A_596, %dma_wait3A_604] : memref<819200x128xf32, #tpu.memory_space<hbm>> -> memref<256x128xf32, #tpu.memory_space<hbm>>
      %dma_wait3A_606 = arith.constant 0 : i32
      %dma_wait3A_607 = arith.constant 0 : i32
      %dma_wait3A_608 = tpu.memref_slice %arg6[%dma_wait3A_597, %dma_wait3A_606, %dma_wait3A_607] : memref<3x256x128xf32, #tpu.memory_space<vmem>> -> memref<1x256x128xf32, #tpu.memory_space<vmem>>
      %dma_wait3A_609 = tpu.memref_squeeze %dma_wait3A_608 : memref<1x256x128xf32, #tpu.memory_space<vmem>> -> memref<256x128xf32, #tpu.memory_space<vmem>>
      tpu.wait_dma2 semaphore(%arg10 : memref<!tpu.dma_semaphore, #tpu.memory_space<semaphore_mem>>) src(%dma_wait3A_609 : memref<256x128xf32, #tpu.memory_space<vmem>>) dst(%dma_wait3A_605 : memref<256x128xf32, #tpu.memory_space<hbm>>)
      %add3A_610 = arith.constant 2 : i32
      %add3A_611 = arith.addi %add3A_545, %add3A_610 : i32
      %mul3A_612 = arith.constant 2 : i32
      %mul3A_613 = arith.muli %add3A_611, %mul3A_612 : i32
      %add3A_614 = arith.constant 0 : i32
      %add3A_615 = arith.addi %mul3A_613, %add3A_614 : i32
      %mul3A_616 = arith.constant 2 : i32
      %mul3A_617 = arith.muli %add3A_611, %mul3A_616 : i32
      %add3A_618 = arith.constant 1 : i32
      %add3A_619 = arith.addi %mul3A_617, %add3A_618 : i32
      %dma_start3A_620 = arith.constant 0 : i32
      %dma_start3A_621 = arith.constant 0 : i32
      %dma_start3A_622 = arith.constant 0 : i32
      %dma_start3A_623 = tpu.memref_slice %arg6[%dma_start3A_620, %dma_start3A_621, %dma_start3A_622] : memref<3x256x128xf32, #tpu.memory_space<vmem>> -> memref<1x128x128xf32, #tpu.memory_space<vmem>>
      %dma_start3A_624 = tpu.memref_squeeze %dma_start3A_623 : memref<1x128x128xf32, #tpu.memory_space<vmem>> -> memref<128x128xf32, #tpu.memory_space<vmem>>
      %dma_start3A_625 = arith.constant 0 : i32
      %dma_start3A_626 = tpu.memref_slice %arg5[%add3A_615, %dma_start3A_625] : memref<200x128xi32, #tpu.memory_space<vmem>> -> memref<1x128xi32, #tpu.memory_space<vmem>>
      %dma_start3A_627 = tpu.memref_squeeze %dma_start3A_626 : memref<1x128xi32, #tpu.memory_space<vmem>> -> memref<128xi32, #tpu.memory_space<vmem>>
      %dma_start3A_628 = arith.constant 0 : i32
      %dma_start3A_629 = arith.constant 0 : i32
      %dma_start3A_630 = tpu.memref_slice %arg2[%dma_start3A_628, %dma_start3A_629] : memref<1000000x128xf32, #tpu.memory_space<hbm>> -> memref<1000000x128xf32, #tpu.memory_space<hbm>>
      tpu.enqueue_indirect_dma source(%dma_start3A_630 : memref<1000000x128xf32, #tpu.memory_space<hbm>>) target(%dma_start3A_624 : memref<128x128xf32, #tpu.memory_space<vmem>>) offsets(%dma_start3A_627 : memref<128xi32, #tpu.memory_space<vmem>>) semaphore(%arg7 : memref<!tpu.dma_semaphore, #tpu.memory_space<semaphore_mem>>)
      %dma_start3A_631 = arith.constant 0 : i32
      %dma_start3A_632 = arith.constant 128 : i32
      %dma_start3A_633 = arith.constant 0 : i32
      %dma_start3A_634 = tpu.memref_slice %arg6[%dma_start3A_631, %dma_start3A_632, %dma_start3A_633] : memref<3x256x128xf32, #tpu.memory_space<vmem>> -> memref<1x128x128xf32, #tpu.memory_space<vmem>>
      %dma_start3A_635 = tpu.memref_squeeze %dma_start3A_634 : memref<1x128x128xf32, #tpu.memory_space<vmem>> -> memref<128x128xf32, #tpu.memory_space<vmem>>
      %dma_start3A_636 = arith.constant 0 : i32
      %dma_start3A_637 = tpu.memref_slice %arg5[%add3A_619, %dma_start3A_636] : memref<200x128xi32, #tpu.memory_space<vmem>> -> memref<1x128xi32, #tpu.memory_space<vmem>>
      %dma_start3A_638 = tpu.memref_squeeze %dma_start3A_637 : memref<1x128xi32, #tpu.memory_space<vmem>> -> memref<128xi32, #tpu.memory_space<vmem>>
      %dma_start3A_639 = arith.constant 0 : i32
      %dma_start3A_640 = arith.constant 0 : i32
      %dma_start3A_641 = tpu.memref_slice %arg2[%dma_start3A_639, %dma_start3A_640] : memref<1000000x128xf32, #tpu.memory_space<hbm>> -> memref<1000000x128xf32, #tpu.memory_space<hbm>>
      tpu.enqueue_indirect_dma source(%dma_start3A_641 : memref<1000000x128xf32, #tpu.memory_space<hbm>>) target(%dma_start3A_635 : memref<128x128xf32, #tpu.memory_space<vmem>>) offsets(%dma_start3A_638 : memref<128xi32, #tpu.memory_space<vmem>>) semaphore(%arg7 : memref<!tpu.dma_semaphore, #tpu.memory_space<semaphore_mem>>)
    }
    %scan3A_202 = arith.constant 32 : i32
    %dma_wait3A_203 = arith.constant 196 : i32
    %dma_wait3A_204 = arith.constant 2 : i32
    %dma_wait3A_205 = arith.constant 0 : i32
    %dma_wait3A_206 = arith.constant 0 : i32
    %dma_wait3A_207 = tpu.memref_slice %arg6[%dma_wait3A_204, %dma_wait3A_205, %dma_wait3A_206] : memref<3x256x128xf32, #tpu.memory_space<vmem>> -> memref<1x128x128xf32, #tpu.memory_space<vmem>>
    %dma_wait3A_208 = tpu.memref_squeeze %dma_wait3A_207 : memref<1x128x128xf32, #tpu.memory_space<vmem>> -> memref<128x128xf32, #tpu.memory_space<vmem>>
    %dma_wait3A_209 = arith.constant 0 : i32
    %dma_wait3A_210 = tpu.memref_slice %arg5[%dma_wait3A_203, %dma_wait3A_209] : memref<200x128xi32, #tpu.memory_space<vmem>> -> memref<1x128xi32, #tpu.memory_space<vmem>>
    %dma_wait3A_211 = tpu.memref_squeeze %dma_wait3A_210 : memref<1x128xi32, #tpu.memory_space<vmem>> -> memref<128xi32, #tpu.memory_space<vmem>>
    %dma_wait3A_212 = arith.constant 0 : i32
    %dma_wait3A_213 = arith.constant 0 : i32
    %dma_wait3A_214 = tpu.memref_slice %arg2[%dma_wait3A_212, %dma_wait3A_213] : memref<1000000x128xf32, #tpu.memory_space<hbm>> -> memref<1000000x128xf32, #tpu.memory_space<hbm>>
    tpu.wait_indirect_dma semaphore(%arg9 : memref<!tpu.dma_semaphore, #tpu.memory_space<semaphore_mem>>) src(%dma_wait3A_214 : memref<1000000x128xf32, #tpu.memory_space<hbm>>) dst(%dma_wait3A_208 : memref<128x128xf32, #tpu.memory_space<vmem>>)
    %dma_wait3A_215 = arith.constant 197 : i32
    %dma_wait3A_216 = arith.constant 2 : i32
    %dma_wait3A_217 = arith.constant 128 : i32
    %dma_wait3A_218 = arith.constant 0 : i32
    %dma_wait3A_219 = tpu.memref_slice %arg6[%dma_wait3A_216, %dma_wait3A_217, %dma_wait3A_218] : memref<3x256x128xf32, #tpu.memory_space<vmem>> -> memref<1x128x128xf32, #tpu.memory_space<vmem>>
    %dma_wait3A_220 = tpu.memref_squeeze %dma_wait3A_219 : memref<1x128x128xf32, #tpu.memory_space<vmem>> -> memref<128x128xf32, #tpu.memory_space<vmem>>
    %dma_wait3A_221 = arith.constant 0 : i32
    %dma_wait3A_222 = tpu.memref_slice %arg5[%dma_wait3A_215, %dma_wait3A_221] : memref<200x128xi32, #tpu.memory_space<vmem>> -> memref<1x128xi32, #tpu.memory_space<vmem>>
    %dma_wait3A_223 = tpu.memref_squeeze %dma_wait3A_222 : memref<1x128xi32, #tpu.memory_space<vmem>> -> memref<128xi32, #tpu.memory_space<vmem>>
    %dma_wait3A_224 = arith.constant 0 : i32
    %dma_wait3A_225 = arith.constant 0 : i32
    %dma_wait3A_226 = tpu.memref_slice %arg2[%dma_wait3A_224, %dma_wait3A_225] : memref<1000000x128xf32, #tpu.memory_space<hbm>> -> memref<1000000x128xf32, #tpu.memory_space<hbm>>
    tpu.wait_indirect_dma semaphore(%arg9 : memref<!tpu.dma_semaphore, #tpu.memory_space<semaphore_mem>>) src(%dma_wait3A_226 : memref<1000000x128xf32, #tpu.memory_space<hbm>>) dst(%dma_wait3A_220 : memref<128x128xf32, #tpu.memory_space<vmem>>)
    %add3A_227 = arith.constant 98 : i32
    %add3A_228 = arith.addi %mul3A_2, %add3A_227 : i32
    %mul3A_229 = arith.constant 256 : i32
    %mul3A_230 = arith.muli %add3A_228, %mul3A_229 : i32
    %dma_start3A_231 = arith.constant 2 : i32
    %dma_start3A_232 = arith.constant 0 : i32
    %dma_start3A_233 = arith.constant 0 : i32
    %dma_start3A_234 = tpu.memref_slice %arg6[%dma_start3A_231, %dma_start3A_232, %dma_start3A_233] : memref<3x256x128xf32, #tpu.memory_space<vmem>> -> memref<1x256x128xf32, #tpu.memory_space<vmem>>
    %dma_start3A_235 = tpu.memref_squeeze %dma_start3A_234 : memref<1x256x128xf32, #tpu.memory_space<vmem>> -> memref<256x128xf32, #tpu.memory_space<vmem>>
    %dma_start3A_236 = arith.constant 0 : i32
    %dma_start3A_237 = tpu.memref_slice %arg4[%mul3A_230, %dma_start3A_236] : memref<819200x128xf32, #tpu.memory_space<hbm>> -> memref<256x128xf32, #tpu.memory_space<hbm>>
    %dma_start3A_238 = arith.constant 0 : i32
    %dma_start3A_239 = tpu.memref_slice %arg4[%mul3A_230, %dma_start3A_238] : memref<819200x128xf32, #tpu.memory_space<hbm>> -> memref<256x128xf32, #tpu.memory_space<hbm>>
    %dma_start3A_240 = arith.constant 0 : i32
    %dma_start3A_241 = arith.constant 0 : i32
    %dma_start3A_242 = tpu.memref_slice %arg6[%dma_start3A_231, %dma_start3A_240, %dma_start3A_241] : memref<3x256x128xf32, #tpu.memory_space<vmem>> -> memref<1x256x128xf32, #tpu.memory_space<vmem>>
    %dma_start3A_243 = tpu.memref_squeeze %dma_start3A_242 : memref<1x256x128xf32, #tpu.memory_space<vmem>> -> memref<256x128xf32, #tpu.memory_space<vmem>>
    tpu.enqueue_dma source(%dma_start3A_243 : memref<256x128xf32, #tpu.memory_space<vmem>>) target(%dma_start3A_239 : memref<256x128xf32, #tpu.memory_space<hbm>>) target_semaphore(%arg12 : memref<!tpu.dma_semaphore, #tpu.memory_space<semaphore_mem>>)
    %add3A_244 = arith.constant 97 : i32
    %add3A_245 = arith.addi %mul3A_2, %add3A_244 : i32
    %mul3A_246 = arith.constant 256 : i32
    %mul3A_247 = arith.muli %add3A_245, %mul3A_246 : i32
    %dma_wait3A_248 = arith.constant 1 : i32
    %dma_wait3A_249 = arith.constant 0 : i32
    %dma_wait3A_250 = arith.constant 0 : i32
    %dma_wait3A_251 = tpu.memref_slice %arg6[%dma_wait3A_248, %dma_wait3A_249, %dma_wait3A_250] : memref<3x256x128xf32, #tpu.memory_space<vmem>> -> memref<1x256x128xf32, #tpu.memory_space<vmem>>
    %dma_wait3A_252 = tpu.memref_squeeze %dma_wait3A_251 : memref<1x256x128xf32, #tpu.memory_space<vmem>> -> memref<256x128xf32, #tpu.memory_space<vmem>>
    %dma_wait3A_253 = arith.constant 0 : i32
    %dma_wait3A_254 = tpu.memref_slice %arg4[%mul3A_247, %dma_wait3A_253] : memref<819200x128xf32, #tpu.memory_space<hbm>> -> memref<256x128xf32, #tpu.memory_space<hbm>>
    %dma_wait3A_255 = arith.constant 0 : i32
    %dma_wait3A_256 = tpu.memref_slice %arg4[%mul3A_247, %dma_wait3A_255] : memref<819200x128xf32, #tpu.memory_space<hbm>> -> memref<256x128xf32, #tpu.memory_space<hbm>>
    %dma_wait3A_257 = arith.constant 0 : i32
    %dma_wait3A_258 = arith.constant 0 : i32
    %dma_wait3A_259 = tpu.memref_slice %arg6[%dma_wait3A_248, %dma_wait3A_257, %dma_wait3A_258] : memref<3x256x128xf32, #tpu.memory_space<vmem>> -> memref<1x256x128xf32, #tpu.memory_space<vmem>>
    %dma_wait3A_260 = tpu.memref_squeeze %dma_wait3A_259 : memref<1x256x128xf32, #tpu.memory_space<vmem>> -> memref<256x128xf32, #tpu.memory_space<vmem>>
    tpu.wait_dma2 semaphore(%arg11 : memref<!tpu.dma_semaphore, #tpu.memory_space<semaphore_mem>>) src(%dma_wait3A_260 : memref<256x128xf32, #tpu.memory_space<vmem>>) dst(%dma_wait3A_256 : memref<256x128xf32, #tpu.memory_space<hbm>>)
    %dma_wait3A_261 = arith.constant 198 : i32
    %dma_wait3A_262 = arith.constant 0 : i32
    %dma_wait3A_263 = arith.constant 0 : i32
    %dma_wait3A_264 = arith.constant 0 : i32
    %dma_wait3A_265 = tpu.memref_slice %arg6[%dma_wait3A_262, %dma_wait3A_263, %dma_wait3A_264] : memref<3x256x128xf32, #tpu.memory_space<vmem>> -> memref<1x128x128xf32, #tpu.memory_space<vmem>>
    %dma_wait3A_266 = tpu.memref_squeeze %dma_wait3A_265 : memref<1x128x128xf32, #tpu.memory_space<vmem>> -> memref<128x128xf32, #tpu.memory_space<vmem>>
    %dma_wait3A_267 = arith.constant 0 : i32
    %dma_wait3A_268 = tpu.memref_slice %arg5[%dma_wait3A_261, %dma_wait3A_267] : memref<200x128xi32, #tpu.memory_space<vmem>> -> memref<1x128xi32, #tpu.memory_space<vmem>>
    %dma_wait3A_269 = tpu.memref_squeeze %dma_wait3A_268 : memref<1x128xi32, #tpu.memory_space<vmem>> -> memref<128xi32, #tpu.memory_space<vmem>>
    %dma_wait3A_270 = arith.constant 0 : i32
    %dma_wait3A_271 = arith.constant 0 : i32
    %dma_wait3A_272 = tpu.memref_slice %arg2[%dma_wait3A_270, %dma_wait3A_271] : memref<1000000x128xf32, #tpu.memory_space<hbm>> -> memref<1000000x128xf32, #tpu.memory_space<hbm>>
    tpu.wait_indirect_dma semaphore(%arg7 : memref<!tpu.dma_semaphore, #tpu.memory_space<semaphore_mem>>) src(%dma_wait3A_272 : memref<1000000x128xf32, #tpu.memory_space<hbm>>) dst(%dma_wait3A_266 : memref<128x128xf32, #tpu.memory_space<vmem>>)
    %dma_wait3A_273 = arith.constant 199 : i32
    %dma_wait3A_274 = arith.constant 0 : i32
    %dma_wait3A_275 = arith.constant 128 : i32
    %dma_wait3A_276 = arith.constant 0 : i32
    %dma_wait3A_277 = tpu.memref_slice %arg6[%dma_wait3A_274, %dma_wait3A_275, %dma_wait3A_276] : memref<3x256x128xf32, #tpu.memory_space<vmem>> -> memref<1x128x128xf32, #tpu.memory_space<vmem>>
    %dma_wait3A_278 = tpu.memref_squeeze %dma_wait3A_277 : memref<1x128x128xf32, #tpu.memory_space<vmem>> -> memref<128x128xf32, #tpu.memory_space<vmem>>
    %dma_wait3A_279 = arith.constant 0 : i32
    %dma_wait3A_280 = tpu.memref_slice %arg5[%dma_wait3A_273, %dma_wait3A_279] : memref<200x128xi32, #tpu.memory_space<vmem>> -> memref<1x128xi32, #tpu.memory_space<vmem>>
    %dma_wait3A_281 = tpu.memref_squeeze %dma_wait3A_280 : memref<1x128xi32, #tpu.memory_space<vmem>> -> memref<128xi32, #tpu.memory_space<vmem>>
    %dma_wait3A_282 = arith.constant 0 : i32
    %dma_wait3A_283 = arith.constant 0 : i32
    %dma_wait3A_284 = tpu.memref_slice %arg2[%dma_wait3A_282, %dma_wait3A_283] : memref<1000000x128xf32, #tpu.memory_space<hbm>> -> memref<1000000x128xf32, #tpu.memory_space<hbm>>
    tpu.wait_indirect_dma semaphore(%arg7 : memref<!tpu.dma_semaphore, #tpu.memory_space<semaphore_mem>>) src(%dma_wait3A_284 : memref<1000000x128xf32, #tpu.memory_space<hbm>>) dst(%dma_wait3A_278 : memref<128x128xf32, #tpu.memory_space<vmem>>)
    %add3A_285 = arith.constant 99 : i32
    %add3A_286 = arith.addi %mul3A_2, %add3A_285 : i32
    %mul3A_287 = arith.constant 256 : i32
    %mul3A_288 = arith.muli %add3A_286, %mul3A_287 : i32
    %dma_start3A_289 = arith.constant 0 : i32
    %dma_start3A_290 = arith.constant 0 : i32
    %dma_start3A_291 = arith.constant 0 : i32
    %dma_start3A_292 = tpu.memref_slice %arg6[%dma_start3A_289, %dma_start3A_290, %dma_start3A_291] : memref<3x256x128xf32, #tpu.memory_space<vmem>> -> memref<1x256x128xf32, #tpu.memory_space<vmem>>
    %dma_start3A_293 = tpu.memref_squeeze %dma_start3A_292 : memref<1x256x128xf32, #tpu.memory_space<vmem>> -> memref<256x128xf32, #tpu.memory_space<vmem>>
    %dma_start3A_294 = arith.constant 0 : i32
    %dma_start3A_295 = tpu.memref_slice %arg4[%mul3A_288, %dma_start3A_294] : memref<819200x128xf32, #tpu.memory_space<hbm>> -> memref<256x128xf32, #tpu.memory_space<hbm>>
    %dma_start3A_296 = arith.constant 0 : i32
    %dma_start3A_297 = tpu.memref_slice %arg4[%mul3A_288, %dma_start3A_296] : memref<819200x128xf32, #tpu.memory_space<hbm>> -> memref<256x128xf32, #tpu.memory_space<hbm>>
    %dma_start3A_298 = arith.constant 0 : i32
    %dma_start3A_299 = arith.constant 0 : i32
    %dma_start3A_300 = tpu.memref_slice %arg6[%dma_start3A_289, %dma_start3A_298, %dma_start3A_299] : memref<3x256x128xf32, #tpu.memory_space<vmem>> -> memref<1x256x128xf32, #tpu.memory_space<vmem>>
    %dma_start3A_301 = tpu.memref_squeeze %dma_start3A_300 : memref<1x256x128xf32, #tpu.memory_space<vmem>> -> memref<256x128xf32, #tpu.memory_space<vmem>>
    tpu.enqueue_dma source(%dma_start3A_301 : memref<256x128xf32, #tpu.memory_space<vmem>>) target(%dma_start3A_297 : memref<256x128xf32, #tpu.memory_space<hbm>>) target_semaphore(%arg10 : memref<!tpu.dma_semaphore, #tpu.memory_space<semaphore_mem>>)
    %add3A_302 = arith.constant 98 : i32
    %add3A_303 = arith.addi %mul3A_2, %add3A_302 : i32
    %mul3A_304 = arith.constant 256 : i32
    %mul3A_305 = arith.muli %add3A_303, %mul3A_304 : i32
    %dma_wait3A_306 = arith.constant 2 : i32
    %dma_wait3A_307 = arith.constant 0 : i32
    %dma_wait3A_308 = arith.constant 0 : i32
    %dma_wait3A_309 = tpu.memref_slice %arg6[%dma_wait3A_306, %dma_wait3A_307, %dma_wait3A_308] : memref<3x256x128xf32, #tpu.memory_space<vmem>> -> memref<1x256x128xf32, #tpu.memory_space<vmem>>
    %dma_wait3A_310 = tpu.memref_squeeze %dma_wait3A_309 : memref<1x256x128xf32, #tpu.memory_space<vmem>> -> memref<256x128xf32, #tpu.memory_space<vmem>>
    %dma_wait3A_311 = arith.constant 0 : i32
    %dma_wait3A_312 = tpu.memref_slice %arg4[%mul3A_305, %dma_wait3A_311] : memref<819200x128xf32, #tpu.memory_space<hbm>> -> memref<256x128xf32, #tpu.memory_space<hbm>>
    %dma_wait3A_313 = arith.constant 0 : i32
    %dma_wait3A_314 = tpu.memref_slice %arg4[%mul3A_305, %dma_wait3A_313] : memref<819200x128xf32, #tpu.memory_space<hbm>> -> memref<256x128xf32, #tpu.memory_space<hbm>>
    %dma_wait3A_315 = arith.constant 0 : i32
    %dma_wait3A_316 = arith.constant 0 : i32
    %dma_wait3A_317 = tpu.memref_slice %arg6[%dma_wait3A_306, %dma_wait3A_315, %dma_wait3A_316] : memref<3x256x128xf32, #tpu.memory_space<vmem>> -> memref<1x256x128xf32, #tpu.memory_space<vmem>>
    %dma_wait3A_318 = tpu.memref_squeeze %dma_wait3A_317 : memref<1x256x128xf32, #tpu.memory_space<vmem>> -> memref<256x128xf32, #tpu.memory_space<vmem>>
    tpu.wait_dma2 semaphore(%arg12 : memref<!tpu.dma_semaphore, #tpu.memory_space<semaphore_mem>>) src(%dma_wait3A_318 : memref<256x128xf32, #tpu.memory_space<vmem>>) dst(%dma_wait3A_314 : memref<256x128xf32, #tpu.memory_space<hbm>>)
    %add3A_319 = arith.constant 99 : i32
    %add3A_320 = arith.addi %mul3A_2, %add3A_319 : i32
    %mul3A_321 = arith.constant 256 : i32
    %mul3A_322 = arith.muli %add3A_320, %mul3A_321 : i32
    %dma_wait3A_323 = arith.constant 0 : i32
    %dma_wait3A_324 = arith.constant 0 : i32
    %dma_wait3A_325 = arith.constant 0 : i32
    %dma_wait3A_326 = tpu.memref_slice %arg6[%dma_wait3A_323, %dma_wait3A_324, %dma_wait3A_325] : memref<3x256x128xf32, #tpu.memory_space<vmem>> -> memref<1x256x128xf32, #tpu.memory_space<vmem>>
    %dma_wait3A_327 = tpu.memref_squeeze %dma_wait3A_326 : memref<1x256x128xf32, #tpu.memory_space<vmem>> -> memref<256x128xf32, #tpu.memory_space<vmem>>
    %dma_wait3A_328 = arith.constant 0 : i32
    %dma_wait3A_329 = tpu.memref_slice %arg4[%mul3A_322, %dma_wait3A_328] : memref<819200x128xf32, #tpu.memory_space<hbm>> -> memref<256x128xf32, #tpu.memory_space<hbm>>
    %dma_wait3A_330 = arith.constant 0 : i32
    %dma_wait3A_331 = tpu.memref_slice %arg4[%mul3A_322, %dma_wait3A_330] : memref<819200x128xf32, #tpu.memory_space<hbm>> -> memref<256x128xf32, #tpu.memory_space<hbm>>
    %dma_wait3A_332 = arith.constant 0 : i32
    %dma_wait3A_333 = arith.constant 0 : i32
    %dma_wait3A_334 = tpu.memref_slice %arg6[%dma_wait3A_323, %dma_wait3A_332, %dma_wait3A_333] : memref<3x256x128xf32, #tpu.memory_space<vmem>> -> memref<1x256x128xf32, #tpu.memory_space<vmem>>
    %dma_wait3A_335 = tpu.memref_squeeze %dma_wait3A_334 : memref<1x256x128xf32, #tpu.memory_space<vmem>> -> memref<256x128xf32, #tpu.memory_space<vmem>>
    tpu.wait_dma2 semaphore(%arg10 : memref<!tpu.dma_semaphore, #tpu.memory_space<semaphore_mem>>) src(%dma_wait3A_335 : memref<256x128xf32, #tpu.memory_space<vmem>>) dst(%dma_wait3A_331 : memref<256x128xf32, #tpu.memory_space<hbm>>)
    return
  }
}

</mosaic_0001>

<sc_bundles>
// kernel: kernel.3.cloned.1.call-start
scs
__scs_entry_jumppad:
0x0: {  	(pc) =	sbr.rel $0x88, $3  }
0x1: {  	(tag) =	ssettag $0x0;
	lr =	simm.s32 $0x1  }
0x2: {  	[smem:$0x3F9F] =	sst lr;
	_ =	strace $0xD0000000  }
0x3: {  	_ = 	snop  }
0x4: {  	_ = 	snop  }
0x5: {  	_ = 	snop  }
0x6: {  	_ = 	snop  }
0x7: {  	_ = 	snop  }
__scs_overlays_trampoline_lowered:
0x8: {  	[smem:$0x3FAE] =	sst s0  }
0x9: {  	[smem:$0x3FAF] =	sst s1  }
0xa: {  	[smem:$0x3FB0] =	sst s2  }
0xb: {  	[smem:$0x3FB1] =	sst s3  }
0xc: {  	[smem:$0x3FB2] =	sst s4  }
0xd: {  	[smem:$0x3FB3] =	sst s5  }
0xe: {  	[smem:$0x3FB4] =	sst s6  }
0xf: {  	[smem:$0x3FB5] =	sst s7  }
0x10: {  	[smem:$0x3FB6] =	sst s8  }
0x11: {  	[smem:$0x3FB7] =	sst s9;
	s0 =	simm.s32 @!p0 $0x0  }
0x12: {  	s1 =	sld [smem:$0x3F9D];
	s0 =	simm.s32 @p0 $0x1  }
0x13: {  	[smem:$0x3FB8] =	sst s0;
	s0 =	simm.s32 @!p1 $0x0  }
0x14: {  	s2 =	sld [smem:$0x3F9C];
	s0 =	simm.s32 @p1 $0x1  }
0x15: {  	[smem:$0x3FB9] =	sst s0;
	s0 =	simm.s32 @!p2 $0x0  }
0x16: {  	s3 =	sld [smem:$0x3FDB];
	s0 =	simm.s32 @p2 $0x1  }
0x17: {  	s4 =	simm.s32 $0x1BF5;
	[smem:$0x3FBB] =	sst s0  }
0x18: {  	s0 =	sld [smem:$0x3F9E];
	_ =	swait.ge [sflag:s4], $0x0  }
0x19: {  	s7 =	sld [smem:$0x3F9F]  }
0x1a: {  	s8 =	sadd.s32 $0xFFFFE003, lr  }
0x1b: {  	s9 =	sadd.s32 $0xFFFFFEF7, lr;
	s5 =	simm.s32 $0xFFFFFFFF;
	p2 =	slt.u32 s8, $0xFFFFF086  }
0x1c: {  	p1 =	slt.u32 s9, $0xF7A;
	s5 =	simm.s32 @!p2 $0x0  }
0x1d: {  	s5 =	simm.s32 @p1 $0x1;
	p0 =	seq.s32 s7, s2  }
0x1e: {  	s7 =	smul.u32 @!p0 $0xF7A, s2;
	p2 =	seq.s32 @!p0 s5, $0x0  }
0x1f: {  	s9 =	smul.u32 $0xF7A, s1;
	s8 =	simm.s32 @!p0 $0x1BF5;
	p2 =	por !p2, p0  }
0x20: {  	[sflag:s8] =	ssyncset.s32 @!p0 $0xFFFFF086;
	s6 =	sadd.s32 @!p0 s3, s7;
	s7 =	simm.s32 @!p0 $0x108  }
0x21: {  	s3 =	sadd.s32 s3, s9;
	s6 =	sadd.s32 @!p0 $0x88, s6;
	s7 =	simm.s32 @p2 $0x1082  }
0x22: {  	[simem:s7], [sflag:s8] =	dma.local @!p0 [hbm:s6], $0xF7A  }
0x23: {  	s9 =	sor.u32 $0xD0000000, s2;
	s6 =	simm.s32 $0x108;
	_ =	swait.ge @!p0 [sflag:s8], $0x0  }
0x24: {  	s3 =	sadd.s32 $0x88, s3;
	s6 =	simm.s32 @!p1 $0x1082;
	[sflag:s4] =	ssyncset.s32 $0xFFFFF086  }
0x25: {  	[simem:s6], [sflag:s4] =	dma.local [hbm:s3], $0xF7A  }
0x26: {  	[smem:$0x3F9F] =	sst s1;
	(tag) =	ssettag s2;
	_ =	strace s9  }
0x27: {  	s1 =	sld [smem:$0x3FAF]  }
0x28: {  	s2 =	sld [smem:$0x3FB0]  }
0x29: {  	s4 =	sld [smem:$0x3FB2]  }
0x2a: {  	p0 =	seq.s32 s5, $0x0;
	s5 =	sld [smem:$0x3FB3]  }
0x2b: {  	s6 =	sld [smem:$0x3FB4]  }
0x2c: {  	s7 =	sld [smem:$0x3FB5]  }
0x2d: {  	s3 =	simm.s32 $0x108;
	s8 =	sld [smem:$0x3FB6]  }
0x2e: {  	s3 =	simm.s32 @!p0 $0x1082;
	s9 =	sld [smem:$0x3FB7]  }
0x2f: {  	lr =	sadd.s32 s0, s3;
	s0 =	sld [smem:$0x3FAE]  }
0x30: {  	s3 =	sld [smem:$0x3FB1]  }
0x31: {  	[smem:$0x3FBA] =	sst s10  }
0x32: {  	s10 =	sld [smem:$0x3FB8];
	_ =	sdelay $0x3  }
0x33: {  	p0 =	seq.s32 s10, $0x1;
	s10 =	sld [smem:$0x3FBA];
	_ =	sdelay $0x3  }
0x34: {  	[smem:$0x3FBA] =	sst s10  }
0x35: {  	s10 =	sld [smem:$0x3FB9];
	_ =	sdelay $0x3  }
0x36: {  	p1 =	seq.s32 s10, $0x1;
	s10 =	sld [smem:$0x3FBA];
	_ =	sdelay $0x3  }
0x37: {  	[smem:$0x3FBA] =	sst s10  }
0x38: {  	s10 =	sld [smem:$0x3FBB]  }
0x39: {  	_ = 	snop;
	(pc) =	sbr.ind lr, $3  }
0x3a: {  	_ = 	snop  }
0x3b: {  	_ = 	snop  }
0x3c: {  	p2 =	seq.s32 s10, $0x1;
	s10 =	sld [smem:$0x3FBA]  }
0x3d: {  	_ =	shalt  }
0x3e: {  	_ =	shalt  }
0x3f: {  	_ =	shalt  }
0x40: {  	_ =	shalt  }
0x41: {  	_ =	shalt  }
0x42: {  	_ =	shalt  }
0x43: {  	_ =	shalt  }
0x44: {  	_ =	shalt  }
0x45: {  	_ =	shalt  }
0x46: {  	_ =	shalt  }
0x47: {  	_ =	shalt  }
0x48: {  	_ =	shalt  }
0x49: {  	_ =	shalt  }
0x4a: {  	_ =	shalt  }
0x4b: {  	_ =	shalt  }
0x4c: {  	_ =	shalt  }
0x4d: {  	_ =	shalt  }
0x4e: {  	_ =	shalt  }
0x4f: {  	_ =	shalt  }
0x50: {  	_ =	shalt  }
0x51: {  	_ =	shalt  }
0x52: {  	_ =	shalt  }
0x53: {  	_ =	shalt  }
0x54: {  	_ =	shalt  }
0x55: {  	_ =	shalt  }
0x56: {  	_ =	shalt  }
0x57: {  	_ =	shalt  }
0x58: {  	_ =	shalt  }
0x59: {  	_ =	shalt  }
0x5a: {  	_ =	shalt  }
0x5b: {  	_ =	shalt  }
0x5c: {  	_ =	shalt  }
0x5d: {  	_ =	shalt  }
0x5e: {  	_ =	shalt  }
0x5f: {  	_ =	shalt  }
0x60: {  	_ =	shalt  }
0x61: {  	_ =	shalt  }
0x62: {  	_ =	shalt  }
0x63: {  	_ =	shalt  }
0x64: {  	_ =	shalt  }
0x65: {  	_ =	shalt  }
0x66: {  	_ =	shalt  }
0x67: {  	_ =	shalt  }
0x68: {  	_ =	shalt  }
0x69: {  	_ =	shalt  }
0x6a: {  	_ =	shalt  }
0x6b: {  	_ =	shalt  }
0x6c: {  	_ =	shalt  }
0x6d: {  	_ =	shalt  }
0x6e: {  	_ =	shalt  }
0x6f: {  	_ =	shalt  }
0x70: {  	_ =	shalt  }
0x71: {  	_ =	shalt  }
0x72: {  	_ =	shalt  }
0x73: {  	_ =	shalt  }
0x74: {  	_ =	shalt  }
0x75: {  	_ =	shalt  }
0x76: {  	_ =	shalt  }
0x77: {  	_ =	shalt  }
0x78: {  	_ =	shalt  }
0x79: {  	_ =	shalt  }
0x7a: {  	_ =	shalt  }
0x7b: {  	_ =	shalt  }
0x7c: {  	_ =	shalt  }
0x7d: {  	_ =	shalt  }
0x7e: {  	_ =	shalt  }
0x7f: {  	_ =	shalt  }
0x80: {  	_ =	shalt  }
0x81: {  	_ =	shalt  }
0x82: {  	_ =	shalt  }
0x83: {  	_ =	shalt  }
0x84: {  	_ =	shalt  }
0x85: {  	_ =	shalt  }
0x86: {  	_ =	shalt  }
0x87: {  	_ =	shalt  }
.Lfunc_end0:
.L_simem_size_0:
called_computation.1_lowered:
.L_overlay_start_0:
0x88: {  	s2 =	sld [smem:$0x3FD9]  }
0x89: {  	s3 =	sld [smem:$0x3FFE];
	_ =	sdelay $0x1  }
0x8a: {  	s1 =	srdreg.scid  }
0x8b: {  	s0 =	sand.u32 $0x1, s1  }
0x8c: {  	s17 =	sshll.u32 s0, $0xA;
	s2 =	sadd.s32 s3, s2  }
0x8d: {  	s2 =	sadd.s32 s2, s17  }
0x8e: {  	[smem:$0x3FC6] =	sst s2  }
0x8f: {  	_ = 	snop  }
0x90: {  	s2 =	sld [smem:$0x3FD0];
	(tm) =	ssettm $0x1  }
0x91: {  	s18 =	sld [smem:$0x3FFB];
	_ =	sdelay $0x3  }
0x92: {  	_ =	strace s18  }
0x93: {  	s3 =	sld [smem:$0x3FFC];
	_ =	sdelay $0x3  }
0x94: {  	_ =	strace s3  }
0x95: {  	s3 =	sld [smem:$0x3FFD];
	_ =	sdelay $0x3  }
0x96: {  	_ =	strace s3  }
0x97: {  	_ =	strace $0x8FFFFFFF  }
0x98: {  	s19 =	sld [smem:$0x3FDB];
	_ =	sdelay $0x1  }
0x99: {  	s4 =	simm.s32 $_scs_section_size  }
0x9a: {  	s5 =	simm.s32 $_size__tile_overlayer_lowered;
	s6 =	simm.s32 $_tile_overlayer_lowered  }
0x9b: {  	s22 =	simm.s32 $0x1BFF;
	s21 =	sshll.u32 s6, $0x1;
	s3 =	sadd.s32 s4, s19  }
0x9c: {  	s7 =	simm.s32 $0x0;
	s20 =	sshll.u32 s5, $0x1;
	s5 =	sadd.s32 s21, s3  }
0x9d: {  	[timem:s7], [sflag:s22] =	dma.local [hbm:s5], s20  }
0x9e: {  	_ =	swait.ge [sflag:s22], s20  }
0x9f: {  	s4 =	ssub.s32 $0x0, s20;
	[sflag:s22] =	ssyncset.done $0x0  }
0xa0: {  	[sflag:s22] =	ssyncadd.s32 s4;
	_ =	sdelay $0x1  }
0xa1: {  	s23 =	simm.s32 $0x1B8B  }
0xa2: {  	_ =	swait.ge [sflag:s23], $0x1  }
0xa3: {  	[sflag:s23] =	ssyncset.done $0x0  }
0xa4: {  	s25 =	simm.s32 $0x1B8E;
	s24 =	sld [smem:$0x3FFE];
	[sflag:s23] =	ssyncadd.s32 $0xFFFFFFFF  }
0xa5: {  	s26 =	simm.s32 $execute0_lowered;
	[smem:$0x3FD2] =	sst s25  }
0xa6: {  	s5 =	sshll.u32 s26, $0x1;
	_ =	strace $0x80000046;
	[dreg:$0x1] =	wrdreg $0xFFFFFFFF  }
0xa7: {  	s28 =	simm.s32 $_size_execute0_lowered;
	s3 =	sadd.s32 s3, s5;
	[dreg:$0x0] =	wrdreg $0x0  }
0xa8: {  	s5 =	sshll.u32 s28, $0x1;
	[dreg:$0x2] =	wrdreg s3  }
0xa9: {  	[dreg:$0x3] =	wrdreg s5  }
0xaa: {  	[dreg:$0x4] =	wrdreg $0xC0  }
0xab: {  	_ =	task [dreg:s7], $0x5FFFF  }
0xac: {  	[dreg:$0x1] =	wrdreg $0xFFFFFFFF  }
0xad: {  	[dreg:$0x0] =	wrdreg $0x60  }
0xae: {  	[dreg:$0x2] =	wrdreg s24  }
0xaf: {  	[dreg:$0x3] =	wrdreg s2  }
0xb0: {  	[dreg:$0x4] =	wrdreg $0x9  }
0xb1: {  	_ =	task.clear_ibuf [dreg:s7], $0x5FFFF;
	_ =	strace $0x90000046  }
0xb2: {  	s29 =	simm.s32 $0x9;
	_ =	strace $0x80000048  }
0xb3: {  	_ =	swait.ge [sflag:s29], $0x1  }
0xb4: {  	[sflag:s29] =	ssyncadd.s32 $0xFFFFFFFF  }
0xb5: {  	_ =	strace $0x90000048  }
0xb6: {  	_ =	sfence  }
0xb7: {  	s30 =	sld [smem:$0x0];
	_ =	sdelay $0x2  }
0xb8: {  	s31 =	sshll.u32 s1, $0xD;
	s1 =	sshrl.u32 s1, $0x2  }
0xb9: {  	s3 =	sand.u32 $0x4000, s31;
	s1 =	sadd.s32 s1, s30  }
0xba: {  	s0 =	sor.u32 s3, s0;
	s1 =	sshll.u32 s1, $0x11  }
0xbb: {  	s0 =	sor.u32 s1, s0  }
0xbc: {  	s0 =	sadd.s32 $0x8F2B, s0  }
0xbd: {  	[sflag:s0] =	ssyncadd.remote.s32 $0x1  }
0xbe: {  	_ =	sfence.sel $0xFFFF  }
0xbf: {  	[dreg:$0x0] =	wrdreg $0xFFFFFFFF;
	(pc) =	sbr.abs _section_cstart, $3  }
0xc0: {  	[dreg:$0x1] =	wrdreg $0xFFFFFFFF  }
0xc1: {  	_ =	task.clear_ibuf [dreg:s7], $0x2FFFF;
	_ =	strace $0x9FFFFFFF  }
0xc2: {  	(tm) =	ssettm $0x7FFFFFFF  }
0xc3: {  	_ =	shalt  }
tec
execute0_lowered:
.L_overlay_start_1:
0x0: {  	(tag) =	ssettag $0x1  }
0x1: {  	s0 =	srdreg.scid;
	s4 =	rddreg [dreg:$0x0]  }
0x2: {  	s3 =	stileid.u32;
	s5 =	rddreg [dreg:$0x1]  }
0x3: {  	s2 =	simm.s32 $0x0;
	s12 =	simm.s32 $0x7;
	s13 =	simm.s32 $0x80  }
0x4: {  	s14 =	simm.s32 $0x6400;
	s15 =	simm.s32 $0xA400;
	s17 =	simm.s32 $0xE400  }
0x5: {  	s19 =	simm.s32 $0x12400;
	s20 =	simm.s32 $0x1;
	s22 =	simm.s32 $0x16400  }
0x6: {  	s24 =	simm.s32 $0x1A400;
	s25 =	simm.s32 $0x2;
	s26 =	simm.s32 $0x4  }
0x7: {  	s29 =	simm.s32 $0x380;
	s30 =	simm.s32 $0x3;
	s31 =	simm.s32 $0x5  }
0x8: {  	s0 =	sand.u32 $0x1, s0;
	s1 =	sshll.u32 s3, $0x1;
	s9 =	smul.u32 $0xC8, s3  }
0x9: {  	s1 =	sor.u32 s0, s1;
	s8 =	ssub.s32 $0x2, s0;
	s0 =	smul.u32 $0x64, s0  }
0xa: {  	[smem:$0x7FF] =	sst s2;
	s3 =	sadd.s32 $0xF42E00, s4;
	s6 =	smul.u32 $0xC80, s1  }
0xb: {  	s11 =	sadd.s32 $0xA00, s4;
	s7 =	smul.u32 $0x64000, s1;
	s10 =	sshrl.u32 s8, $0x1  }
0xc: {  	_ =	strace $0x80000047;
	s1 =	smul.u32 $0x320000, s1;
	s10 =	ssub.s32 s8, s10  }
0xd: {  	s0 =	sadd.s32 s0, s9;
	s4 =	sadd.s32 s5, s6;
	s5 =	sadd.s32 s11, s7  }
0xe: {  	s1 =	sshrl.u32 s1, $0x3;
	s0 =	sshll.u32 s0, $0xC;
	s9 =	smax.u32 s10, $0x1  }
0xf: {  	s6 =	sadd.s32 $0x1000, s5;
	s1 =	sadd.s32 s11, s1;
	s0 =	sadd.s32 s0, s11  }
0x10: {  	s7 =	sadd.s32 $0x62000, s1;
	s8 =	sadd.s32 $0x63000, s1;
	s10 =	sadd.s32 $0x3000, s0  }
0x11: {  	s11 =	sadd.s32 $0x4000, s0;
	s1 =	simm.s32 $0x6;
	s0 =	simm.s32 $0x0  }
.LBB2_1:
0x12: {  	[tilespmem:s2], [sflag:$0x7] =	stream.linear.gather [hbm4b:s4+s2], $0x6400, $0x38;
	[tilespmem:$0x1E400] =	vst v63  }
0x13: {  	_ =	swait.ge [sflag:s12], $0x6400  }
0x14: {  	[sflag:s12] =	ssyncset.done $0x0  }
0x15: {  	[sflag:s12] =	ssyncadd.s32 $0xFFFF9C00  }
0x16: {  	[tilespmem:s14], [sflag:$0x1] =	stream.indirect.gather [hbm4b:s3+s13], $0x80, s2, s13, $0xb8;
	[tilespmem:$0x1E400] =	vst v63  }
0x17: {  	_ = 	snop  }
0x18: {  	[tilespmem:s15], [sflag:$0x1] =	stream.indirect.gather [hbm4b:s3+s13], $0x80, s13, s13, $0xb8;
	[tilespmem:$0x1E400] =	vst v63  }
0x19: {  	s16 =	simm.s32 $0x100  }
0x1a: {  	[tilespmem:s17], [sflag:$0x2] =	stream.indirect.gather [hbm4b:s3+s13], $0x80, s16, s13, $0xb8;
	[tilespmem:$0x1E400] =	vst v63  }
0x1b: {  	s23 =	simm.s32 $0x180  }
0x1c: {  	[tilespmem:s19], [sflag:$0x2] =	stream.indirect.gather [hbm4b:s3+s13], $0x80, s23, s13, $0xb8;
	[tilespmem:$0x1E400] =	vst v63  }
0x1d: {  	_ =	swait.ge [sflag:s20], $0x4000  }
0x1e: {  	[sflag:s20] =	ssyncset.done $0x0  }
0x1f: {  	[sflag:s20] =	ssyncadd.s32 $0xFFFFC000  }
0x20: {  	_ =	swait.ge [sflag:s20], $0x4000  }
0x21: {  	[sflag:s20] =	ssyncset.done $0x0  }
0x22: {  	[sflag:s20] =	ssyncadd.s32 $0xFFFFC000  }
0x23: {  	[hbm4b:s5+s2] =	stream.linear.scatter [tilespmem:s14], [sflag:$0x4], $0x8000, $0x38;
	[tilespmem:$0x1E400] =	vst v63  }
0x24: {  	s28 =	simm.s32 $0x200  }
0x25: {  	[tilespmem:s22], [sflag:$0x3] =	stream.indirect.gather [hbm4b:s3+s13], $0x80, s28, s13, $0xb8;
	[tilespmem:$0x1E400] =	vst v63  }
0x26: {  	s18 =	simm.s32 $0x280  }
0x27: {  	[tilespmem:s24], [sflag:$0x3] =	stream.indirect.gather [hbm4b:s3+s13], $0x80, s18, s13, $0xb8;
	[tilespmem:$0x1E400] =	vst v63  }
0x28: {  	_ =	swait.ge [sflag:s25], $0x4000  }
0x29: {  	[sflag:s25] =	ssyncset.done $0x0  }
0x2a: {  	[sflag:s25] =	ssyncadd.s32 $0xFFFFC000  }
0x2b: {  	_ =	swait.ge [sflag:s25], $0x4000  }
0x2c: {  	[sflag:s25] =	ssyncset.done $0x0  }
0x2d: {  	[sflag:s25] =	ssyncadd.s32 $0xFFFFC000  }
0x2e: {  	[hbm4b:s6+s2] =	stream.linear.scatter [tilespmem:s17], [sflag:$0x5], $0x8000, $0x38;
	[tilespmem:$0x1E400] =	vst v63  }
0x2f: {  	_ =	swait.ge [sflag:s26], $0x8000  }
0x30: {  	[sflag:s26] =	ssyncset.done $0x0  }
0x31: {  	s21 =	simm.s32 $0x300;
	[sflag:s26] =	ssyncadd.s32 $0xFFFF8000  }
0x32: {  	[tilespmem:s14], [sflag:$0x1] =	stream.indirect.gather [hbm4b:s3+s13], $0x80, s21, s13, $0xb8;
	[tilespmem:$0x1E400] =	vst v63  }
0x33: {  	_ = 	snop  }
0x34: {  	[tilespmem:s15], [sflag:$0x1] =	stream.indirect.gather [hbm4b:s3+s13], $0x80, s29, s13, $0xb8;
	[tilespmem:$0x1E400] =	vst v63  }
0x35: {  	_ =	swait.ge [sflag:s30], $0x4000  }
0x36: {  	[sflag:s30] =	ssyncset.done $0x0  }
0x37: {  	[sflag:s30] =	ssyncadd.s32 $0xFFFFC000  }
0x38: {  	_ =	swait.ge [sflag:s30], $0x4000  }
0x39: {  	[sflag:s30] =	ssyncset.done $0x0  }
0x3a: {  	s23 =	sadd.s32 $0xFFFFF000, s10;
	[sflag:s30] =	ssyncadd.s32 $0xFFFFC000  }
0x3b: {  	[hbm4b:s23+s2] =	stream.linear.scatter [tilespmem:s22], [sflag:$0x6], $0x8000, $0x38;
	[tilespmem:$0x1E400] =	vst v63  }
0x3c: {  	_ =	swait.ge [sflag:s31], $0x8000  }
0x3d: {  	[sflag:s31] =	ssyncset.done $0x0  }
0x3e: {  	s28 =	simm.s32 $0x400;
	[sflag:s31] =	ssyncadd.s32 $0xFFFF8000  }
0x3f: {  	[tilespmem:s17], [sflag:$0x2] =	stream.indirect.gather [hbm4b:s3+s13], $0x80, s28, s13, $0xb8;
	[tilespmem:$0x1E400] =	vst v63  }
0x40: {  	s18 =	simm.s32 $0x480  }
0x41: {  	[tilespmem:s19], [sflag:$0x2] =	stream.indirect.gather [hbm4b:s3+s13], $0x80, s18, s13, $0xb8;
	[tilespmem:$0x1E400] =	vst v63  }
0x42: {  	_ =	swait.ge [sflag:s20], $0x4000  }
0x43: {  	[sflag:s20] =	ssyncset.done $0x0  }
0x44: {  	[sflag:s20] =	ssyncadd.s32 $0xFFFFC000  }
0x45: {  	_ =	swait.ge [sflag:s20], $0x4000  }
0x46: {  	[sflag:s20] =	ssyncset.done $0x0  }
0x47: {  	[sflag:s20] =	ssyncadd.s32 $0xFFFFC000  }
0x48: {  	[hbm4b:s10+s2] =	stream.linear.scatter [tilespmem:s14], [sflag:$0x4], $0x8000, $0x38;
	[tilespmem:$0x1E400] =	vst v63  }
0x49: {  	_ =	swait.ge [sflag:s1], $0x8000  }
0x4a: {  	[sflag:s1] =	ssyncset.done $0x0  }
0x4b: {  	s21 =	simm.s32 $0x500;
	[sflag:s1] =	ssyncadd.s32 $0xFFFF8000  }
0x4c: {  	[tilespmem:s22], [sflag:$0x3] =	stream.indirect.gather [hbm4b:s3+s13], $0x80, s21, s13, $0xb8;
	[tilespmem:$0x1E400] =	vst v63  }
0x4d: {  	s23 =	simm.s32 $0x580  }
0x4e: {  	[tilespmem:s24], [sflag:$0x3] =	stream.indirect.gather [hbm4b:s3+s13], $0x80, s23, s13, $0xb8;
	[tilespmem:$0x1E400] =	vst v63  }
0x4f: {  	_ =	swait.ge [sflag:s25], $0x4000  }
0x50: {  	[sflag:s25] =	ssyncset.done $0x0  }
0x51: {  	[sflag:s25] =	ssyncadd.s32 $0xFFFFC000  }
0x52: {  	_ =	swait.ge [sflag:s25], $0x4000  }
0x53: {  	[sflag:s25] =	ssyncset.done $0x0  }
0x54: {  	[sflag:s25] =	ssyncadd.s32 $0xFFFFC000  }
0x55: {  	[hbm4b:s11+s2] =	stream.linear.scatter [tilespmem:s17], [sflag:$0x5], $0x8000, $0x38;
	[tilespmem:$0x1E400] =	vst v63  }
0x56: {  	s16 =	simm.s32 $0xC00;
	_ =	swait.ge [sflag:s26], $0x8000  }
0x57: {  	s28 =	simm.s32 $0x600;
	s18 =	sadd.s32 $0x3000, s10;
	[sflag:s26] =	ssyncset.done $0x0  }
0x58: {  	s21 =	sadd.s32 $0x3000, s11;
	s23 =	simm.s32 $0x680;
	[sflag:s26] =	ssyncadd.s32 $0xFFFF8000  }
0x59: {  	[tilespmem:s14], [sflag:$0x1] =	stream.indirect.gather [hbm4b:s3+s13], $0x80, s28, s13, $0xb8;
	[tilespmem:$0x1E400] =	vst v63  }
.LBB2_2:
0x5a: {  	[tilespmem:s15], [sflag:$0x1] =	stream.indirect.gather [hbm4b:s3+s13], $0x80, s23, s13, $0xb8;
	[tilespmem:$0x1E400] =	vst v63  }
0x5b: {  	s23 =	smov.u32 s16  }
0x5c: {  	p0 =	sne.s32 s16, $0x17400;
	s16 =	sadd.s32 $0xC00, s16;
	_ =	swait.ge [sflag:s30], $0x4000  }
0x5d: {  	[sflag:s30] =	ssyncset.done $0x0  }
0x5e: {  	[sflag:s30] =	ssyncadd.s32 $0xFFFFC000  }
0x5f: {  	_ =	swait.ge [sflag:s30], $0x4000  }
0x60: {  	[sflag:s30] =	ssyncset.done $0x0  }
0x61: {  	s28 =	sadd.s32 $0xFFFFF000, s18;
	[sflag:s30] =	ssyncadd.s32 $0xFFFFC000  }
0x62: {  	[hbm4b:s28+s2] =	stream.linear.scatter [tilespmem:s22], [sflag:$0x6], $0x8000, $0x38;
	[tilespmem:$0x1E400] =	vst v63  }
0x63: {  	_ =	swait.ge [sflag:s31], $0x8000  }
0x64: {  	s23 =	sshra.s32 s23, $0x2;
	[sflag:s31] =	ssyncset.done $0x0  }
0x65: {  	s28 =	sadd.s32 $0x400, s23;
	[sflag:s31] =	ssyncadd.s32 $0xFFFF8000  }
0x66: {  	[tilespmem:s17], [sflag:$0x2] =	stream.indirect.gather [hbm4b:s3+s13], $0x80, s28, s13, $0xb8;
	[tilespmem:$0x1E400] =	vst v63  }
0x67: {  	s28 =	sadd.s32 $0x480, s23  }
0x68: {  	[tilespmem:s19], [sflag:$0x2] =	stream.indirect.gather [hbm4b:s3+s13], $0x80, s28, s13, $0xb8;
	[tilespmem:$0x1E400] =	vst v63  }
0x69: {  	_ =	swait.ge [sflag:s20], $0x4000  }
0x6a: {  	[sflag:s20] =	ssyncset.done $0x0  }
0x6b: {  	[sflag:s20] =	ssyncadd.s32 $0xFFFFC000  }
0x6c: {  	_ =	swait.ge [sflag:s20], $0x4000  }
0x6d: {  	[sflag:s20] =	ssyncset.done $0x0  }
0x6e: {  	[sflag:s20] =	ssyncadd.s32 $0xFFFFC000  }
0x6f: {  	[hbm4b:s18+s2] =	stream.linear.scatter [tilespmem:s14], [sflag:$0x4], $0x8000, $0x38;
	[tilespmem:$0x1E400] =	vst v63  }
0x70: {  	_ =	swait.ge [sflag:s1], $0x8000  }
0x71: {  	[sflag:s1] =	ssyncset.done $0x0  }
0x72: {  	s28 =	sadd.s32 $0x500, s23;
	[sflag:s1] =	ssyncadd.s32 $0xFFFF8000  }
0x73: {  	[tilespmem:s22], [sflag:$0x3] =	stream.indirect.gather [hbm4b:s3+s13], $0x80, s28, s13, $0xb8;
	[tilespmem:$0x1E400] =	vst v63  }
0x74: {  	s28 =	sadd.s32 $0x580, s23  }
0x75: {  	[tilespmem:s24], [sflag:$0x3] =	stream.indirect.gather [hbm4b:s3+s13], $0x80, s28, s13, $0xb8;
	[tilespmem:$0x1E400] =	vst v63  }
0x76: {  	_ =	swait.ge [sflag:s25], $0x4000  }
0x77: {  	[sflag:s25] =	ssyncset.done $0x0  }
0x78: {  	[sflag:s25] =	ssyncadd.s32 $0xFFFFC000  }
0x79: {  	_ =	swait.ge [sflag:s25], $0x4000  }
0x7a: {  	[sflag:s25] =	ssyncset.done $0x0  }
0x7b: {  	[sflag:s25] =	ssyncadd.s32 $0xFFFFC000  }
0x7c: {  	[hbm4b:s21+s2] =	stream.linear.scatter [tilespmem:s17], [sflag:$0x5], $0x8000, $0x38;
	[tilespmem:$0x1E400] =	vst v63  }
.Ltmp0:
0x7d: {  	_ =	swait.ge [sflag:s26], $0x8000;
	(pc) =	sbr.rel @p0 .LBB2_2-.Ltmp0, $4  }
0x7e: {  	[sflag:s26] =	ssyncset.done $0x0  }
0x7f: {  	s28 =	sadd.s32 $0x600, s23;
	[sflag:s26] =	ssyncadd.s32 $0xFFFF8000  }
0x80: {  	[tilespmem:s14], [sflag:$0x1] =	stream.indirect.gather [hbm4b:s3+s13], $0x80, s28, s13, $0xb8;
	[tilespmem:$0x1E400] =	vst v63  }
0x81: {  	s18 =	sadd.s32 $0x3000, s18;
	s23 =	sadd.s32 $0x680, s23;
	s21 =	sadd.s32 $0x3000, s21  }
0x82: {  	[tilespmem:s15], [sflag:$0x1] =	stream.indirect.gather [hbm4b:s3+s13], $0x80, s23, s13, $0xb8;
	[tilespmem:$0x1E400] =	vst v63  }
0x83: {  	_ =	swait.ge [sflag:s30], $0x4000  }
0x84: {  	[sflag:s30] =	ssyncset.done $0x0  }
0x85: {  	[sflag:s30] =	ssyncadd.s32 $0xFFFFC000  }
0x86: {  	_ =	swait.ge [sflag:s30], $0x4000  }
0x87: {  	[sflag:s30] =	ssyncset.done $0x0  }
0x88: {  	[sflag:s30] =	ssyncadd.s32 $0xFFFFC000  }
0x89: {  	[hbm4b:s7+s2] =	stream.linear.scatter [tilespmem:s22], [sflag:$0x6], $0x8000, $0x38;
	[tilespmem:$0x1E400] =	vst v63  }
0x8a: {  	_ =	swait.ge [sflag:s31], $0x8000  }
0x8b: {  	[sflag:s31] =	ssyncset.done $0x0  }
0x8c: {  	[sflag:s31] =	ssyncadd.s32 $0xFFFF8000  }
0x8d: {  	_ =	swait.ge [sflag:s20], $0x4000  }
0x8e: {  	[sflag:s20] =	ssyncset.done $0x0  }
0x8f: {  	[sflag:s20] =	ssyncadd.s32 $0xFFFFC000  }
0x90: {  	_ =	swait.ge [sflag:s20], $0x4000  }
0x91: {  	[sflag:s20] =	ssyncset.done $0x0  }
0x92: {  	s0 =	sadd.s32 $0x1, s0;
	[sflag:s20] =	ssyncadd.s32 $0xFFFFC000  }
0x93: {  	[hbm4b:s8+s2] =	stream.linear.scatter [tilespmem:s14], [sflag:$0x4], $0x8000, $0x38;
	[tilespmem:$0x1E400] =	vst v63  }
0x94: {  	p0 =	sne.s32 s0, s9;
	_ =	swait.ge [sflag:s1], $0x8000  }
.Ltmp1:
0x95: {  	[sflag:s1] =	ssyncset.done $0x0;
	(pc) =	sbr.rel @p0 .LBB2_1-.Ltmp1, $4  }
0x96: {  	[sflag:s1] =	ssyncadd.s32 $0xFFFF8000  }
0x97: {  	_ =	swait.ge [sflag:s26], $0x8000  }
0x98: {  	[sflag:s26] =	ssyncset.done $0x0  }
0x99: {  	[sflag:s26] =	ssyncadd.s32 $0xFFFF8000  }
0x9a: {  	_ =	sfence.sel $0x180000  }
0x9b: {  	[bflag:$0x0] =	sbarrier.arrive $0xFFFF  }
0x9c: {  	_ =	strace $0x90000047  }
0x9d: {  	s0 =	stileid.u32;
	[bflag:$0x2] =	sbarrier.arrive $0xFFFF  }
0x9e: {  	p0 =	sne.s32 s0, $0x0;
	s0 =	rddreg [dreg:$0x2]  }
0x9f: {  	s0 =	sadd.s32 @!p0 $0x100000, s0  }
0xa0: {  	[sflag:s0] =	ssyncadd.tile.s32 @!p0 $0x1;
	_ =	shalt  }
.Lfunc_end2:
_tile_overlayer_lowered:
.L_overlay_start_2:
0xa1: {  	(tag) =	ssettag $0x2  }
0xa2: {  	s0 =	rddreg [dreg:$0x0];
	s2 =	stileid.u32  }
0xa3: {  	s1 =	rddreg [dreg:$0x1];
	p0 =	sne.s32 s2, $0x0  }
0xa4: {  	s3 =	rddreg [dreg:$0x2];
	[bflag:$0x3] =	sbarrier.arrive $0xFFFF;
	s2 =	simm.s32 @!p0 $0x1C07  }
0xa5: {  	[timem:s3], [sflag:s2] =	dma.local @!p0 [hbm:s0], s1  }
0xa6: {  	s0 =	simm.s32 @!p0 $0x7  }
0xa7: {  	_ =	swait.ge @!p0 [sflag:s0], s1  }
0xa8: {  	s1 =	ssub.s32 @!p0 $0x0, s1;
	[sflag:s0] =	ssyncset.done @!p0 $0x0  }
0xa9: {  	[sflag:s0] =	ssyncadd.s32 @!p0 s1  }
0xaa: {  	[bflag:$0x3] =	sbarrier.arrive $0xFFFF  }
0xab: {  	_ =	shalt  }

// kernel: sparse-core-data-format-call.cloned.1.call-start
scs
called_computation_lowered:
.L_overlay_start_0:
0x0: {  	s2 =	sld [smem:$0x3FD9]  }
0x1: {  	s3 =	sld [smem:$0x3FFE];
	_ =	sdelay $0x1  }
0x2: {  	s1 =	srdreg.scid  }
0x3: {  	s0 =	sand.u32 $0x1, s1  }
0x4: {  	s18 =	sshll.u32 s0, $0xA;
	s2 =	sadd.s32 s3, s2  }
0x5: {  	s2 =	sadd.s32 s2, s18  }
0x6: {  	[smem:$0x3FC6] =	sst s2  }
0x7: {  	_ = 	snop  }
0x8: {  	s2 =	sld [smem:$0x3FD0];
	(tm) =	ssettm $0x1  }
0x9: {  	s19 =	sld [smem:$0x3FFB];
	_ =	sdelay $0x3  }
0xa: {  	_ =	strace s19  }
0xb: {  	s3 =	sld [smem:$0x3FFC];
	_ =	sdelay $0x3  }
0xc: {  	_ =	strace s3  }
0xd: {  	s3 =	sld [smem:$0x3FFD];
	_ =	sdelay $0x3  }
0xe: {  	_ =	strace s3  }
0xf: {  	_ =	strace $0x8FFFFFFF  }
0x10: {  	s20 =	sld [smem:$0x3FDB];
	_ =	sdelay $0x1  }
0x11: {  	s4 =	simm.s32 $_scs_section_size  }
0x12: {  	s5 =	simm.s32 $_size__tile_overlayer_lowered;
	s6 =	simm.s32 $_tile_overlayer_lowered  }
0x13: {  	s23 =	simm.s32 $0x1BFF;
	s22 =	sshll.u32 s6, $0x1;
	s3 =	sadd.s32 s4, s20  }
0x14: {  	s7 =	simm.s32 $0x0;
	s21 =	sshll.u32 s5, $0x1;
	s5 =	sadd.s32 s22, s3  }
0x15: {  	[timem:s7], [sflag:s23] =	dma.local [hbm:s5], s21  }
0x16: {  	_ =	swait.ge [sflag:s23], s21  }
0x17: {  	s4 =	ssub.s32 $0x0, s21;
	[sflag:s23] =	ssyncset.done $0x0  }
0x18: {  	[sflag:s23] =	ssyncadd.s32 s4;
	_ =	sdelay $0x1  }
0x19: {  	s24 =	simm.s32 $0x1B8B  }
0x1a: {  	_ =	swait.ge [sflag:s24], $0x1  }
0x1b: {  	[sflag:s24] =	ssyncset.done $0x0  }
0x1c: {  	s26 =	simm.s32 $0x1B8E;
	s25 =	sld [smem:$0x3FFE];
	[sflag:s24] =	ssyncadd.s32 $0xFFFFFFFF  }
0x1d: {  	s27 =	simm.s32 $execute0_lowered;
	[smem:$0x3FD2] =	sst s26  }
0x1e: {  	s5 =	sshll.u32 s27, $0x1;
	_ =	strace $0x80000049;
	[dreg:$0x1] =	wrdreg $0xFFFFFFFF  }
0x1f: {  	s28 =	simm.s32 $_size_execute0_lowered;
	s3 =	sadd.s32 s3, s5;
	[dreg:$0x0] =	wrdreg $0x0  }
0x20: {  	s5 =	sshll.u32 s28, $0x1;
	[dreg:$0x2] =	wrdreg s3  }
0x21: {  	[dreg:$0x3] =	wrdreg s5  }
0x22: {  	[dreg:$0x4] =	wrdreg $0xC0  }
0x23: {  	_ =	task [dreg:s7], $0x5FFFF  }
0x24: {  	[dreg:$0x1] =	wrdreg $0xFFFFFFFF  }
0x25: {  	[dreg:$0x0] =	wrdreg $0x60  }
0x26: {  	[dreg:$0x2] =	wrdreg s25  }
0x27: {  	[dreg:$0x3] =	wrdreg s2  }
0x28: {  	[dreg:$0x4] =	wrdreg $0x9  }
0x29: {  	_ =	task.clear_ibuf [dreg:s7], $0x5FFFF;
	_ =	strace $0x90000049  }
0x2a: {  	s29 =	simm.s32 $0x9;
	_ =	strace $0x8000004B  }
0x2b: {  	_ =	swait.ge [sflag:s29], $0x1  }
0x2c: {  	[sflag:s29] =	ssyncadd.s32 $0xFFFFFFFF  }
0x2d: {  	_ =	strace $0x9000004B  }
0x2e: {  	_ =	sfence  }
0x2f: {  	s30 =	sld [smem:$0x0];
	_ =	sdelay $0x2  }
0x30: {  	s31 =	sshll.u32 s1, $0xD;
	s1 =	sshrl.u32 s1, $0x2  }
0x31: {  	s3 =	sand.u32 $0x4000, s31;
	s1 =	sadd.s32 s1, s30  }
0x32: {  	s0 =	sor.u32 s3, s0;
	s1 =	sshll.u32 s1, $0x11  }
0x33: {  	s0 =	sor.u32 s1, s0  }
0x34: {  	s0 =	sadd.s32 $0x8F2B, s0  }
0x35: {  	[sflag:s0] =	ssyncadd.remote.s32 $0x1  }
0x36: {  	_ =	sfence.sel $0xFFFF  }
0x37: {  	[dreg:$0x0] =	wrdreg $0xFFFFFFFF;
	(pc) =	sbr.abs _section_cstart, $3  }
0x38: {  	[dreg:$0x1] =	wrdreg $0xFFFFFFFF  }
0x39: {  	_ =	task.clear_ibuf [dreg:s7], $0x2FFFF;
	_ =	strace $0x9FFFFFFF  }
0x3a: {  	(tm) =	ssettm $0x7FFFFFFF  }
0x3b: {  	_ =	shalt  }
tec
execute0_lowered:
.L_overlay_start_1:
0x0: {  	(tag) =	ssettag $0x1  }
0x1: {  	s0 =	srdreg.scid  }
0x2: {  	s1 =	sshll.u32 s0, $0x4  }
0x3: {  	s0 =	stileid.u32;
	s1 =	sand.u32 $0x10, s1  }
0x4: {  	s1 =	sor.u32 s0, s1  }
0x5: {  	s6 =	rddreg [dreg:$0x0];
	s4 =	simm.s32 $0x1;
	s2 =	sshll.u32 s1, $0x7  }
0x6: {  	s7 =	simm.s32 $0x2;
	s12 =	simm.s32 $0x0;
	s1 =	ssub.s32 $0x1000, s2  }
0x7: {  	s8 =	simm.s32 $0x8000;
	s13 =	simm.s32 $0x0;
	s3 =	sand.u32 $0xF80, s1  }
0x8: {  	s9 =	simm.s32 $0x0;
	s5 =	sshrl.u32 s1, $0xC;
	p0 =	sne.s32 s3, $0x0  }
.Ltmp0:
0x9: {  	s1 =	rddreg [dreg:$0x2];
	s4 =	simm.s32 @!p0 $0x0;
	(pc) =	sbr.rel .LBB1_1-.Ltmp0, $4  }
0xa: {  	s11 =	simm.s32 $0x0;
	s3 =	rddreg [dreg:$0x1];
	s5 =	sadd.s32 s4, s5  }
0xb: {  	_ =	strace $0x8000004A;
	s4 =	simm.s32 $0x1;
	s5 =	smul.u32 $0xC8, s5  }
0xc: {  	s6 =	sadd.s32 $0xA00, s6;
	s10 =	smov.u32 s2;
	[sflag:s4] =	ssyncpa.u1 $0x0  }
0xd: {  	p0 =	por $0x0, $0x0;
	[sflag:s7] =	ssyncpa.u1 $0x0;
	s7 =	sor.u32 $0x1, s5  }
.LBB1_4:
0xe: {  	s16 =	sshll.u32 s13, $0x3;
	s17 =	sand.u32 $0x78, s13  }
0xf: {  	s30 =	sand.u32 $0x7E00, s13;
	s12 =	sshll.u32 s12, $0xF;
	s16 =	sand.u32 $0xC00, s16  }
0x10: {  	[tilespmem:s15+$0x810 ss:$0x81] =	vst.msk $0xffff, v2;
	s31 =	sand.u32 $0x7, s13;
	s16 =	sor.u32 s17, s16;
	s17 =	sadd.s32 s3, s30  }
0x11: {  	[tilespmem:s15+$0x1020 ss:$0x81] =	vst.msk $0xffff, v0;
	s13 =	sshll.u32 s31, $0x12;
	s12 =	sadd.s32 s12, s17;
	s16 =	sshrl.u32 s16, $0x3  }
0x12: {  	[tilespmem:s15+$0x0 ss:$0x81] =	vst.msk $0xffff, v1;
	s13 =	sor.u32 $0x400, s13;
	s12 =	sadd.s32 s16, s12  }
0x13: {  	[hbm4b:s12+s13] =	stream.strided.scatter [tilespmem:s14], [sflag:$0x2], $0x2000, s8, s13, $0x20;
	[tilespmem:$0x8080] =	vst v63  }
.LBB1_5:
0x14: {  	s14 =	sadd.s32 $0x1, s9  }
0x15: {  	s12 =	sadd.s32 $0x1000, s10;
	s16 =	smov.u32 s10;
	p2 =	sgt.s32 s14, $0xC7  }
0x16: {  	s16 =	smov.u32 @p2 s12  }
0x17: {  	s14 =	simm.s32 @p2 $0x0;
	p2 =	sgt.s32 s16, $0xFFF  }
0x18: {  	s16 =	smov.u32 @p2 s2;
	p2 =	sne.s32 s11, s7  }
.Ltmp1:
0x19: {  	p1 =	slt.u32 s11, $0x2;
	(pc) =	sbr.rel @!p2 .LBB1_6-.Ltmp1, $4  }
0x1a: {  	s15 =	simm.s32 @!p1 $0x2  }
0x1b: {  	s13 =	smov.u32 s10;
	p0 =	por !p0, !p0;
	_ =	swait.ge @!p1 [sflag:s15], $0x2000  }
0x1c: {  	s12 =	smov.u32 s9;
	[sflag:s15] =	ssyncset.done @!p1 $0x0;
	s9 =	smov.u32 s14  }
0x1d: {  	s11 =	sadd.s32 $0x1, s11;
	[sflag:s15] =	ssyncadd.s32 @!p1 $0xFFFFE000;
	s10 =	smov.u32 s16  }
.LBB1_1:
0x1e: {  	p1 =	sge.u32 s11, s5  }
0x1f: {  	s14 =	sand.u32 @!p1 $0x1FFFFFF, s9  }
0x20: {  	s15 =	smulhi.u32 @!p1 $0x147AE15, s14;
	_ =	sdelay $0x1  }
0x21: {  	s15 =	smul.u32 @!p1 $0xC8, s15  }
0x22: {  	s16 =	sxor.u32 @!p1 $0xFFFFFFFF, s11;
	s17 =	smul.u32 @!p1 $0xC80, s10  }
0x23: {  	s31 =	sadd.s32 $0xFFFFFFFF, s11;
	s16 =	sshll.u32 @!p1 s16, $0xD;
	s14 =	ssub.s32 @!p1 s14, s15  }
0x24: {  	s15 =	sand.u32 @!p1 $0x2000, s16;
	s16 =	sadd.s32 @!p1 s6, s17;
	s14 =	sshll.u32 @!p1 s14, $0x4  }
0x25: {  	s17 =	simm.s32 @!p1 $0x6400;
	s14 =	sadd.s32 @!p1 s14, s16;
	s16 =	simm.s32 @!p1 $0x40  }
0x26: {  	[tilespmem:s15], [sflag:$0x1] =	stream.strided.gather @!p1 [hbm4b:s14+s16], $0x2000, s17, s16, $0x38;
	[tilespmem:$0x8080] =	vst v63  }
0x27: {  	p1 =	sge.u32 s31, s5  }
.Ltmp2:
0x28: {  	_ = 	snop;
	(pc) =	sbr.rel @p1 .LBB1_5-.Ltmp2, $1  }
0x29: {  	_ =	sdelay $0x3  }
0x2a: {  	s14 =	simm.s32 $0x1  }
0x2b: {  	_ =	swait.ge [sflag:s4], $0x2000;
	s14 =	simm.s32 @!p0 $0x0  }
0x2c: {  	[sflag:s4] =	ssyncset.done $0x0;
	s15 =	sshll.u32 s14, $0xD  }
0x2d: {  	[sflag:s4] =	ssyncadd.s32 $0xFFFFE000;
	s18 =	sor.u32 $0x20, s15  }
0x2e: {  	s14 =	smul.u32 $0x8100, s14;
	v3 =	vld [tilespmem:s18+$0x10]  }
0x2f: {  	s30 =	sand.u32 $0x1, s11;
	v2 =	vld [tilespmem:s18+$0xFFFFFFF0]  }
0x30: {  	s15 =	smul.u32 $0x8100, s30;
	s14 =	sshrl.u32 s14, $0x2;
	v0 =	vld [tilespmem:s18+$0x0]  }
0x31: {  	v1 =	vld [tilespmem:s18+$0xFFFFFFE0];
	s16 =	sor.u32 $0x4000, s14  }
0x32: {  	s31 =	sshrl.u32 s15, $0x2;
	s15 =	sadd.s32 $0x0, s16  }
0x33: {  	s17 =	simm.s32 $0x4;
	s18 =	sadd.s32 $0x40, s18;
	s14 =	sor.u32 $0x4000, s31;
	[tilespmem:s15+$0x1830 ss:$0x81] =	vst.msk $0xffff, v3  }
.LBB1_3:
0x34: {  	v3 =	vld [tilespmem:s18+$0x10];
	p1 =	sne.s32 s17, $0x1FC;
	[tilespmem:s15+$0x810 ss:$0x81] =	vst.msk $0xffff, v2;
	s19 =	smov.u32 s17;
	s17 =	sadd.s32 $0x4, s17  }
.Ltmp3:
0x35: {  	v2 =	vld [tilespmem:s18+$0xFFFFFFF0];
	[tilespmem:s15+$0x1020 ss:$0x81] =	vst.msk $0xffff, v0;
	(pc) =	sbr.rel @p1 .LBB1_3-.Ltmp3, $4  }
0x36: {  	v0 =	vld [tilespmem:s18+$0x0];
	[tilespmem:s15+$0x0 ss:$0x81] =	vst.msk $0xffff, v1  }
0x37: {  	s15 =	sshra.s32 s19, $0x2;
	v1 =	vld [tilespmem:s18+$0xFFFFFFE0]  }
0x38: {  	s15 =	sadd.s32 s15, s16  }
0x39: {  	s18 =	sadd.s32 $0x40, s18;
	[tilespmem:s15+$0x1830 ss:$0x81] =	vst.msk $0xffff, v3  }
.Ltmp4:
0x3a: {  	_ = 	snop;
	(pc) =	sbr.rel .LBB1_4-.Ltmp4, $1  }
0x3b: {  	_ =	sdelay $0x3  }
.LBB1_6:
0x3c: {  	_ =	sfence.sel $0x180000  }
0x3d: {  	s2 =	simm.s32 $0x1;
	[bflag:$0x0] =	sbarrier.arrive $0xFFFF  }
0x3e: {  	s31 =	simm.s32 $0x2;
	[sflag:s2] =	ssyncpa.u1 $0x1  }
0x3f: {  	[sflag:s31] =	ssyncpa.u1 $0x1  }
0x40: {  	p0 =	sne.s32 s0, $0x0;
	_ =	strace $0x9000004A  }
0x41: {  	s0 =	sadd.s32 @!p0 $0x100000, s1;
	[bflag:$0x2] =	sbarrier.arrive $0xFFFF  }
0x42: {  	[sflag:s0] =	ssyncadd.tile.s32 @!p0 $0x1;
	_ =	shalt  }
.Lfunc_end1:
_tile_overlayer_lowered:
.L_overlay_start_2:
0x43: {  	(tag) =	ssettag $0x2  }
0x44: {  	s0 =	rddreg [dreg:$0x0];
	s2 =	stileid.u32  }
0x45: {  	s1 =	rddreg [dreg:$0x1];
	p0 =	sne.s32 s2, $0x0  }
0x46: {  	s3 =	rddreg [dreg:$0x2];
	[bflag:$0x3] =	sbarrier.arrive $0xFFFF;
	s2 =	simm.s32 @!p0 $0x1C01  }
0x47: {  	[timem:s3], [sflag:s2] =	dma.local @!p0 [hbm:s0], s1  }
0x48: {  	s0 =	simm.s32 @!p0 $0x1  }
0x49: {  	_ =	swait.ge @!p0 [sflag:s0], s1  }
0x4a: {  	s1 =	ssub.s32 @!p0 $0x0, s1;
	[sflag:s0] =	ssyncset.done @!p0 $0x0  }
0x4b: {  	[sflag:s0] =	ssyncadd.s32 @!p0 s1  }
0x4c: {  	[bflag:$0x3] =	sbarrier.arrive $0xFFFF  }
0x4d: {  	_ =	shalt  }

</sc_bundles>
